<compile_context>
chip_gen: v7x
topology: tpu7x:2x2x1
jax: 0.10.2.dev20260603
libtpu: 0.0.44.dev20260713+nightly
codegen_flags: <defaults>
</compile_context>

<pallas_src>
import functools

import jax
import jax.numpy as jnp
from jax import lax
from jax.experimental import pallas as pl
from jax.experimental.pallas import tpu as pltpu
from jax.experimental.pallas import tpu_sc as plsc

N_FIELDS = 26
VOCAB = 100000
EMB_DIM = 16
LANES = 16
NUM_CORES = 2
NUM_SUBCORES = 16
NW = NUM_CORES * NUM_SUBCORES

IDX_BLK = 128
SUPER = 13


def _sc_gather(tbl_flat, idx2d):
    R = idx2d.shape[0]
    rows_per_w = R // NW
    n_super = rows_per_w // SUPER

    mesh = plsc.VectorSubcoreMesh(core_axis_name="c", subcore_axis_name="s")

    @functools.partial(
        pl.kernel,
        mesh=mesh,
        out_type=jax.ShapeDtypeStruct((R * IDX_BLK, EMB_DIM), jnp.float32),
        scratch_types=[
            pltpu.VMEM((rows_per_w, IDX_BLK), jnp.int32),
            pltpu.VMEM((2, SUPER * IDX_BLK, EMB_DIM), jnp.float32),
            pltpu.SemaphoreType.DMA,
            pltpu.SemaphoreType.DMA,
        ],
        compiler_params=pltpu.CompilerParams(use_tc_tiling_on_sc=False),
    )
    def k(idx_hbm, tbl_hbm, out_hbm, idx_v, rows_v, sem0, sem1):
        wid = lax.axis_index("s") * NUM_CORES + lax.axis_index("c")
        rbase = wid * rows_per_w
        pltpu.sync_copy(idx_hbm.at[pl.ds(rbase, rows_per_w)], idx_v)

        lane = lax.iota(jnp.int32, LANES)
        sems = (sem0, sem1)

        def fixup(c):
            def fix_row(r0, _):
                r = c * SUPER + r0
                def fix_vec(i, _):
                    pos = (rbase + r) * IDX_BLK + i * LANES
                    f = lax.rem(pos + lane, N_FIELDS)
                    sl = pl.ds(i * LANES, LANES)
                    idx_v[r, sl] = idx_v[r, sl] + f * VOCAB
                    return 0
                return lax.fori_loop(0, IDX_BLK // LANES, fix_vec, 0)
            lax.fori_loop(0, SUPER, fix_row, 0)

        def fire(c, buf):
            def f(j, _):
                pltpu.async_copy(
                    tbl_hbm.at[idx_v.at[c * SUPER + j]],
                    rows_v.at[buf, pl.ds(j * IDX_BLK, IDX_BLK)],
                    sems[buf],
                )
                return 0
            lax.fori_loop(0, SUPER, f, 0)

        def drain_store(c, buf):
            def d(j, _):
                pltpu.make_async_copy(
                    tbl_hbm.at[idx_v.at[c * SUPER + j]],
                    rows_v.at[buf, pl.ds(j * IDX_BLK, IDX_BLK)],
                    sems[buf],
                ).wait()
                return 0
            lax.fori_loop(0, SUPER, d, 0)
            pltpu.sync_copy(
                rows_v.at[buf],
                out_hbm.at[pl.ds((rbase + c * SUPER) * IDX_BLK,
                                 SUPER * IDX_BLK)],
            )

        fixup(0)
        fire(0, 0)
        for c in range(1, n_super):
            fixup(c)
            fire(c, c % 2)
            drain_store(c - 1, (c - 1) % 2)
        drain_store(n_super - 1, (n_super - 1) % 2)

    return k(idx2d, tbl_flat)


def _tc_depad(tbl3d, sk=2600):
    S = tbl3d.shape[0]
    G = S // sk

    def body(in_ref, out_ref):
        for k in range(8):
            out_ref[:, k * EMB_DIM:(k + 1) * EMB_DIM] = in_ref[:, k, :]

    return pl.pallas_call(
        body,
        grid=(G,),
        in_specs=[pl.BlockSpec((sk, 8, EMB_DIM), lambda i: (i, 0, 0))],
        out_specs=pl.BlockSpec((sk, 128), lambda i: (i, 0)),
        out_shape=jax.ShapeDtypeStruct((S, 128), jnp.float32),
        compiler_params=pltpu.CompilerParams(
            dimension_semantics=("arbitrary",)),
    )(tbl3d)


def _tc_mlp(numerical, emb, W1n, W1e, b1, W2, b2, W3, b3, bm=4096):
    B = numerical.shape[0]
    nd = numerical.shape[1]
    ed = emb.shape[1]
    h1 = W1n.shape[1]
    h2 = W2.shape[1]

    def body(num_ref, emb_ref, w1n_ref, w1e_ref, b1_ref, w2_ref, b2_ref,
             w3_ref, b3_ref, out_ref):
        h = jnp.dot(num_ref[...], w1n_ref[...],
                    preferred_element_type=jnp.float32)
        h = h + jnp.dot(emb_ref[...], w1e_ref[...],
                        preferred_element_type=jnp.float32)
        h = jnp.maximum(h + b1_ref[...], 0.0)
        h = jnp.maximum(jnp.dot(h, w2_ref[...],
                                preferred_element_type=jnp.float32)
                        + b2_ref[...], 0.0)
        out_ref[...] = jnp.dot(h, w3_ref[...],
                               preferred_element_type=jnp.float32) + b3_ref[...]

    return pl.pallas_call(
        body,
        grid=(B // bm,),
        in_specs=[
            pl.BlockSpec((bm, nd), lambda i: (i, 0)),
            pl.BlockSpec((bm, ed), lambda i: (i, 0)),
            pl.BlockSpec((nd, h1), lambda i: (0, 0)),
            pl.BlockSpec((ed, h1), lambda i: (0, 0)),
            pl.BlockSpec((1, h1), lambda i: (0, 0)),
            pl.BlockSpec((h1, h2), lambda i: (0, 0)),
            pl.BlockSpec((1, h2), lambda i: (0, 0)),
            pl.BlockSpec((h2, 1), lambda i: (0, 0)),
            pl.BlockSpec((1, 1), lambda i: (0, 0)),
        ],
        out_specs=pl.BlockSpec((bm, 1), lambda i: (i, 0)),
        out_shape=jax.ShapeDtypeStruct((B, 1), jnp.float32),
        compiler_params=pltpu.CompilerParams(
            dimension_semantics=("arbitrary",)),
    )(numerical, emb, W1n, W1e, b1, W2, b2, W3, b3)


def kernel(numerical, categorical, tables, W1, b1, W2, b2, W3, b3):
    B, nf = categorical.shape
    nd = numerical.shape[1]
    tbl_flat = _tc_depad(tables.reshape(nf * VOCAB // 8, 8, EMB_DIM)).reshape(
        nf * VOCAB, EMB_DIM)
    idx2d = categorical.astype(jnp.int32).reshape(-1, IDX_BLK)
    emb = _sc_gather(tbl_flat, idx2d).reshape(B, nf * EMB_DIM)
    out = _tc_mlp(numerical, emb,
                  W1[:nd], W1[nd:], b1.reshape(1, -1),
                  W2, b2.reshape(1, -1), W3, b3.reshape(1, 1))
    return out

# --- scband reference (transcript-rebuilt; emitter-appended) ---
"""Pipeline reference for scband-ctrmodel-45183055953944 (READ-ONLY COPY).

The authoritative reference and input builder live on the scoring server;
editing this copy changes nothing except your own understanding.
"""

import jax, jax.numpy as jnp
import numpy as np

N_FIELDS = 26
VOCAB = 100000
EMB_DIM = 16
NUM_NUMERICAL = 13
BATCH = 16384
HIDDEN = [128, 64]


def setup_inputs(seed: int = 0) -> dict:
    key = jax.random.key(seed)
    k_num, k_cat, k_t, k_w1, k_b1, k_w2, k_b2, k_w3, k_b3 = jax.random.split(key, 9)
    numerical = jax.random.normal(k_num, (BATCH, NUM_NUMERICAL), dtype=jnp.float32)
    categorical = jax.random.randint(k_cat, (BATCH, N_FIELDS), 0, VOCAB, dtype=jnp.int64)
    tables = jax.random.normal(k_t, (N_FIELDS, VOCAB, EMB_DIM), dtype=jnp.float32)
    input_dim = NUM_NUMERICAL + N_FIELDS * EMB_DIM
    W1 = jax.random.normal(k_w1, (input_dim, HIDDEN[0]), dtype=jnp.float32) * (1.0 / np.sqrt(input_dim))
    b1 = jnp.zeros((HIDDEN[0],), dtype=jnp.float32)
    W2 = jax.random.normal(k_w2, (HIDDEN[0], HIDDEN[1]), dtype=jnp.float32) * (1.0 / np.sqrt(HIDDEN[0]))
    b2 = jnp.zeros((HIDDEN[1],), dtype=jnp.float32)
    W3 = jax.random.normal(k_w3, (HIDDEN[1], 1), dtype=jnp.float32) * (1.0 / np.sqrt(HIDDEN[1]))
    b3 = jnp.zeros((1,), dtype=jnp.float32)
    return {"numerical": numerical, "categorical": categorical, "tables": tables,
            "W1": W1, "b1": b1, "W2": W2, "b2": b2, "W3": W3, "b3": b3}


def reference(numerical, categorical, tables, W1, b1, W2, b2, W3, b3):
    # per-field embedding lookup: tables[i][categorical[:, i]] -> [N_FIELDS, B, EMB_DIM]
    emb = jax.vmap(lambda tbl, idx: jnp.take(tbl, idx, axis=0))(tables, categorical.T)
    emb = jnp.transpose(emb, (1, 0, 2)).reshape(numerical.shape[0], -1)
    x = jnp.concatenate([numerical, emb], axis=-1)
    h = jax.nn.relu(x @ W1 + b1)  # dropout is identity in eval mode
    h = jax.nn.relu(h @ W2 + b2)
    out = h @ W3 + b3
    return out

if __name__ == "__main__":
    import jax
    _d = setup_inputs()
    print(jax.jit(kernel)(*tuple(_d.values())))

</pallas_src>

<mosaic_0001>
#map = affine_map<(d0, d1) -> (0, 0)>
module attributes {stable_mosaic.version = 14 : i64} {
  func.func @k(%arg0: i32, %arg1: i32, %arg2: memref<3328x128xi32, #tpu.memory_space<hbm>>, %arg3: memref<2600000x16xf32, #tpu.memory_space<hbm>>, %arg4: memref<425984x16xf32, #tpu.memory_space<hbm>>, %arg5: memref<104x128xi32, #tpu.memory_space<vmem>>, %arg6: memref<2x1664x16xf32, #tpu.memory_space<vmem>>, %arg7: memref<!tpu.dma_semaphore, #tpu.memory_space<semaphore_mem>>, %arg8: memref<!tpu.dma_semaphore, #tpu.memory_space<semaphore_mem>>) attributes {dimension_semantics = [#tpu.dimension_semantics<core_parallel>, #tpu.dimension_semantics<subcore_parallel>], iteration_bounds = array<i64: 2, 16>, scalar_prefetch = 0 : i64, scratch_operands = 4 : i64, tpu.core_type = #tpu.core_type<sc_vector_subcore>, window_params = [{transform_indices = #map}, {transform_indices = #map}, {transform_indices = #map}]} {
    %mul3A = arith.constant 2 : i32
    %mul3A_0 = arith.muli %arg1, %mul3A : i32
    %add3A = arith.addi %mul3A_0, %arg0 : i32
    %mul3A_1 = arith.constant 104 : i32
    %mul3A_2 = arith.muli %add3A, %mul3A_1 : i32
    "tpu.region"() ({
      %run_scoped3A_209 = tpu.sem_alloc : memref<!tpu.dma_semaphore, #tpu.memory_space<semaphore_mem>>
      %dma_start3A = arith.constant 0 : i32
      %dma_start3A_210 = tpu.memref_slice %arg2[%mul3A_2, %dma_start3A] : memref<3328x128xi32, #tpu.memory_space<hbm>> -> memref<104x128xi32, #tpu.memory_space<hbm>>
      %dma_start3A_211 = arith.constant 0 : i32
      %dma_start3A_212 = tpu.memref_slice %arg2[%mul3A_2, %dma_start3A_211] : memref<3328x128xi32, #tpu.memory_space<hbm>> -> memref<104x128xi32, #tpu.memory_space<hbm>>
      tpu.enqueue_dma source(%dma_start3A_212 : memref<104x128xi32, #tpu.memory_space<hbm>>) target(%arg5 : memref<104x128xi32, #tpu.memory_space<vmem>>) target_semaphore(%run_scoped3A_209 : memref<!tpu.dma_semaphore, #tpu.memory_space<semaphore_mem>>)
      %dma_wait3A = arith.constant 0 : i32
      %dma_wait3A_213 = tpu.memref_slice %arg2[%mul3A_2, %dma_wait3A] : memref<3328x128xi32, #tpu.memory_space<hbm>> -> memref<104x128xi32, #tpu.memory_space<hbm>>
      %dma_wait3A_214 = arith.constant 0 : i32
      %dma_wait3A_215 = tpu.memref_slice %arg2[%mul3A_2, %dma_wait3A_214] : memref<3328x128xi32, #tpu.memory_space<hbm>> -> memref<104x128xi32, #tpu.memory_space<hbm>>
      tpu.wait_dma2 semaphore(%run_scoped3A_209 : memref<!tpu.dma_semaphore, #tpu.memory_space<semaphore_mem>>) src(%dma_wait3A_215 : memref<104x128xi32, #tpu.memory_space<hbm>>) dst(%arg5 : memref<104x128xi32, #tpu.memory_space<vmem>>)
      tpu.yield
    }) : () -> ()
    %iota3A = tpu.iota {dimensions = array<i32: 0>} : vector<16xi32>
    %scan3A = arith.constant 0 : i32
    %scan3A_3 = arith.constant 0 : i32
    %scan3A_4 = arith.constant 13 : i32
    %scan3A_5 = arith.addi %scan3A_3, %scan3A_4 : i32
    %scan3A_6 = arith.constant 1 : i32
    %scan3A_7 = scf.for %scan3A_209 = %scan3A_3 to %scan3A_5 step %scan3A_6 iter_args(%scan3A_210 = %scan3A) -> (i32)  : i32 {
      %add3A_211 = arith.constant 0 : i32
      %add3A_212 = arith.addi %add3A_211, %scan3A_209 : i32
      %scan3A_213 = arith.constant 0 : i32
      %scan3A_214 = arith.constant 0 : i32
      %scan3A_215 = arith.constant 8 : i32
      %scan3A_216 = arith.addi %scan3A_214, %scan3A_215 : i32
      %scan3A_217 = arith.constant 1 : i32
      %scan3A_218 = scf.for %scan3A_220 = %scan3A_214 to %scan3A_216 step %scan3A_217 iter_args(%scan3A_221 = %scan3A_213) -> (i32)  : i32 {
        %add3A_222 = arith.addi %mul3A_2, %add3A_212 : i32
        %mul3A_223 = arith.constant 128 : i32
        %mul3A_224 = arith.muli %add3A_222, %mul3A_223 : i32
        %mul3A_225 = arith.constant 16 : i32
        %mul3A_226 = arith.muli %scan3A_220, %mul3A_225 : i32
        %add3A_227 = arith.addi %mul3A_224, %mul3A_226 : i32
        %add3A_228 = vector.broadcast %add3A_227 : i32 to vector<16xi32>
        %add3A_229 = arith.addi %add3A_228, %iota3A : vector<16xi32>
        %rem3A = arith.constant 26 : i32
        %rem3A_230 = vector.broadcast %rem3A : i32 to vector<16xi32>
        %rem3A_231 = arith.remsi %add3A_229, %rem3A_230 : vector<16xi32>
        %mul3A_232 = arith.constant 16 : i32
        %mul3A_233 = arith.muli %scan3A_220, %mul3A_232 : i32
        %get3A = arith.index_cast %add3A_212 : i32 to index
        %get3A_234 = arith.index_cast %mul3A_233 : i32 to index
        %get3A_235 = tpu.vector_load %arg5[%get3A, %get3A_234] {strides = array<i32>} : memref<104x128xi32, #tpu.memory_space<vmem>>, vector<1x16xi32>,
        %get3A_236 = vector.shape_cast %get3A_235 : vector<1x16xi32> to vector<16xi32>
        %mul3A_237 = arith.constant 100000 : i32
        %mul3A_238 = vector.broadcast %mul3A_237 : i32 to vector<16xi32>
        %mul3A_239 = arith.muli %rem3A_231, %mul3A_238 : vector<16xi32>
        %add3A_240 = arith.addi %get3A_236, %mul3A_239 : vector<16xi32>
        %swap3A = arith.index_cast %add3A_212 : i32 to index
        %swap3A_241 = arith.index_cast %mul3A_233 : i32 to index
        %swap3A_242 = tpu.vector_load %arg5[%swap3A, %swap3A_241] {strides = array<i32>} : memref<104x128xi32, #tpu.memory_space<vmem>>, vector<1x16xi32>,
        %swap3A_243 = vector.shape_cast %swap3A_242 : vector<1x16xi32> to vector<16xi32>
        %swap3A_244 = vector.shape_cast %add3A_240 : vector<16xi32> to vector<1x16xi32>
        tpu.vector_store %arg5[%swap3A, %swap3A_241], %swap3A_244 {strides = array<i32>} : memref<104x128xi32, #tpu.memory_space<vmem>>, vector<1x16xi32>,
        %scan3A_245 = arith.constant 0 : i32
        scf.yield %scan3A_245 : i32
      }
      %scan3A_219 = arith.constant 8 : i32
      scf.yield %scan3A_218 : i32
    }
    %scan3A_8 = arith.constant 13 : i32
    %scan3A_9 = arith.constant 0 : i32
    %scan3A_10 = arith.constant 0 : i32
    %scan3A_11 = arith.constant 13 : i32
    %scan3A_12 = arith.addi %scan3A_10, %scan3A_11 : i32
    %scan3A_13 = arith.constant 1 : i32
    %scan3A_14 = scf.for %scan3A_209 = %scan3A_10 to %scan3A_12 step %scan3A_13 iter_args(%scan3A_210 = %scan3A_9) -> (i32)  : i32 {
      %add3A_211 = arith.constant 0 : i32
      %add3A_212 = arith.addi %add3A_211, %scan3A_209 : i32
      %mul3A_213 = arith.constant 128 : i32
      %mul3A_214 = arith.muli %scan3A_209, %mul3A_213 : i32
      %dma_start3A = arith.constant 0 : i32
      %dma_start3A_215 = arith.constant 0 : i32
      %dma_start3A_216 = tpu.memref_slice %arg6[%dma_start3A, %mul3A_214, %dma_start3A_215] : memref<2x1664x16xf32, #tpu.memory_space<vmem>> -> memref<1x128x16xf32, #tpu.memory_space<vmem>>
      %dma_start3A_217 = tpu.memref_squeeze %dma_start3A_216 : memref<1x128x16xf32, #tpu.memory_space<vmem>> -> memref<128x16xf32, #tpu.memory_space<vmem>>
      %dma_start3A_218 = arith.constant 0 : i32
      %dma_start3A_219 = tpu.memref_slice %arg5[%add3A_212, %dma_start3A_218] : memref<104x128xi32, #tpu.memory_space<vmem>> -> memref<1x128xi32, #tpu.memory_space<vmem>>
      %dma_start3A_220 = tpu.memref_squeeze %dma_start3A_219 : memref<1x128xi32, #tpu.memory_space<vmem>> -> memref<128xi32, #tpu.memory_space<vmem>>
      %dma_start3A_221 = arith.constant 0 : i32
      %dma_start3A_222 = arith.constant 0 : i32
      %dma_start3A_223 = tpu.memref_slice %arg3[%dma_start3A_221, %dma_start3A_222] : memref<2600000x16xf32, #tpu.memory_space<hbm>> -> memref<2600000x16xf32, #tpu.memory_space<hbm>>
      tpu.enqueue_indirect_dma source(%dma_start3A_223 : memref<2600000x16xf32, #tpu.memory_space<hbm>>) target(%dma_start3A_217 : memref<128x16xf32, #tpu.memory_space<vmem>>) offsets(%dma_start3A_220 : memref<128xi32, #tpu.memory_space<vmem>>) semaphore(%arg7 : memref<!tpu.dma_semaphore, #tpu.memory_space<semaphore_mem>>)
      %scan3A_224 = arith.constant 0 : i32
      scf.yield %scan3A_224 : i32
    }
    %scan3A_15 = arith.constant 13 : i32
    %scan3A_16 = arith.constant 0 : i32
    %scan3A_17 = arith.constant 0 : i32
    %scan3A_18 = arith.constant 13 : i32
    %scan3A_19 = arith.addi %scan3A_17, %scan3A_18 : i32
    %scan3A_20 = arith.constant 1 : i32
    %scan3A_21 = scf.for %scan3A_209 = %scan3A_17 to %scan3A_19 step %scan3A_20 iter_args(%scan3A_210 = %scan3A_16) -> (i32)  : i32 {
      %add3A_211 = arith.constant 13 : i32
      %add3A_212 = arith.addi %add3A_211, %scan3A_209 : i32
      %scan3A_213 = arith.constant 0 : i32
      %scan3A_214 = arith.constant 0 : i32
      %scan3A_215 = arith.constant 8 : i32
      %scan3A_216 = arith.addi %scan3A_214, %scan3A_215 : i32
      %scan3A_217 = arith.constant 1 : i32
      %scan3A_218 = scf.for %scan3A_220 = %scan3A_214 to %scan3A_216 step %scan3A_217 iter_args(%scan3A_221 = %scan3A_213) -> (i32)  : i32 {
        %add3A_222 = arith.addi %mul3A_2, %add3A_212 : i32
        %mul3A_223 = arith.constant 128 : i32
        %mul3A_224 = arith.muli %add3A_222, %mul3A_223 : i32
        %mul3A_225 = arith.constant 16 : i32
        %mul3A_226 = arith.muli %scan3A_220, %mul3A_225 : i32
        %add3A_227 = arith.addi %mul3A_224, %mul3A_226 : i32
        %add3A_228 = vector.broadcast %add3A_227 : i32 to vector<16xi32>
        %add3A_229 = arith.addi %add3A_228, %iota3A : vector<16xi32>
        %rem3A = arith.constant 26 : i32
        %rem3A_230 = vector.broadcast %rem3A : i32 to vector<16xi32>
        %rem3A_231 = arith.remsi %add3A_229, %rem3A_230 : vector<16xi32>
        %mul3A_232 = arith.constant 16 : i32
        %mul3A_233 = arith.muli %scan3A_220, %mul3A_232 : i32
        %get3A = arith.index_cast %add3A_212 : i32 to index
        %get3A_234 = arith.index_cast %mul3A_233 : i32 to index
        %get3A_235 = tpu.vector_load %arg5[%get3A, %get3A_234] {strides = array<i32>} : memref<104x128xi32, #tpu.memory_space<vmem>>, vector<1x16xi32>,
        %get3A_236 = vector.shape_cast %get3A_235 : vector<1x16xi32> to vector<16xi32>
        %mul3A_237 = arith.constant 100000 : i32
        %mul3A_238 = vector.broadcast %mul3A_237 : i32 to vector<16xi32>
        %mul3A_239 = arith.muli %rem3A_231, %mul3A_238 : vector<16xi32>
        %add3A_240 = arith.addi %get3A_236, %mul3A_239 : vector<16xi32>
        %swap3A = arith.index_cast %add3A_212 : i32 to index
        %swap3A_241 = arith.index_cast %mul3A_233 : i32 to index
        %swap3A_242 = tpu.vector_load %arg5[%swap3A, %swap3A_241] {strides = array<i32>} : memref<104x128xi32, #tpu.memory_space<vmem>>, vector<1x16xi32>,
        %swap3A_243 = vector.shape_cast %swap3A_242 : vector<1x16xi32> to vector<16xi32>
        %swap3A_244 = vector.shape_cast %add3A_240 : vector<16xi32> to vector<1x16xi32>
        tpu.vector_store %arg5[%swap3A, %swap3A_241], %swap3A_244 {strides = array<i32>} : memref<104x128xi32, #tpu.memory_space<vmem>>, vector<1x16xi32>,
        %scan3A_245 = arith.constant 0 : i32
        scf.yield %scan3A_245 : i32
      }
      %scan3A_219 = arith.constant 8 : i32
      scf.yield %scan3A_218 : i32
    }
    %scan3A_22 = arith.constant 13 : i32
    %scan3A_23 = arith.constant 0 : i32
    %scan3A_24 = arith.constant 0 : i32
    %scan3A_25 = arith.constant 13 : i32
    %scan3A_26 = arith.addi %scan3A_24, %scan3A_25 : i32
    %scan3A_27 = arith.constant 1 : i32
    %scan3A_28 = scf.for %scan3A_209 = %scan3A_24 to %scan3A_26 step %scan3A_27 iter_args(%scan3A_210 = %scan3A_23) -> (i32)  : i32 {
      %add3A_211 = arith.constant 13 : i32
      %add3A_212 = arith.addi %add3A_211, %scan3A_209 : i32
      %mul3A_213 = arith.constant 128 : i32
      %mul3A_214 = arith.muli %scan3A_209, %mul3A_213 : i32
      %dma_start3A = arith.constant 1 : i32
      %dma_start3A_215 = arith.constant 0 : i32
      %dma_start3A_216 = tpu.memref_slice %arg6[%dma_start3A, %mul3A_214, %dma_start3A_215] : memref<2x1664x16xf32, #tpu.memory_space<vmem>> -> memref<1x128x16xf32, #tpu.memory_space<vmem>>
      %dma_start3A_217 = tpu.memref_squeeze %dma_start3A_216 : memref<1x128x16xf32, #tpu.memory_space<vmem>> -> memref<128x16xf32, #tpu.memory_space<vmem>>
      %dma_start3A_218 = arith.constant 0 : i32
      %dma_start3A_219 = tpu.memref_slice %arg5[%add3A_212, %dma_start3A_218] : memref<104x128xi32, #tpu.memory_space<vmem>> -> memref<1x128xi32, #tpu.memory_space<vmem>>
      %dma_start3A_220 = tpu.memref_squeeze %dma_start3A_219 : memref<1x128xi32, #tpu.memory_space<vmem>> -> memref<128xi32, #tpu.memory_space<vmem>>
      %dma_start3A_221 = arith.constant 0 : i32
      %dma_start3A_222 = arith.constant 0 : i32
      %dma_start3A_223 = tpu.memref_slice %arg3[%dma_start3A_221, %dma_start3A_222] : memref<2600000x16xf32, #tpu.memory_space<hbm>> -> memref<2600000x16xf32, #tpu.memory_space<hbm>>
      tpu.enqueue_indirect_dma source(%dma_start3A_223 : memref<2600000x16xf32, #tpu.memory_space<hbm>>) target(%dma_start3A_217 : memref<128x16xf32, #tpu.memory_space<vmem>>) offsets(%dma_start3A_220 : memref<128xi32, #tpu.memory_space<vmem>>) semaphore(%arg8 : memref<!tpu.dma_semaphore, #tpu.memory_space<semaphore_mem>>)
      %scan3A_224 = arith.constant 0 : i32
      scf.yield %scan3A_224 : i32
    }
    %scan3A_29 = arith.constant 13 : i32
    %scan3A_30 = arith.constant 0 : i32
    %scan3A_31 = arith.constant 0 : i32
    %scan3A_32 = arith.constant 13 : i32
    %scan3A_33 = arith.addi %scan3A_31, %scan3A_32 : i32
    %scan3A_34 = arith.constant 1 : i32
    %scan3A_35 = scf.for %scan3A_209 = %scan3A_31 to %scan3A_33 step %scan3A_34 iter_args(%scan3A_210 = %scan3A_30) -> (i32)  : i32 {
      %add3A_211 = arith.constant 0 : i32
      %add3A_212 = arith.addi %add3A_211, %scan3A_209 : i32
      %mul3A_213 = arith.constant 128 : i32
      %mul3A_214 = arith.muli %scan3A_209, %mul3A_213 : i32
      %dma_wait3A = arith.constant 0 : i32
      %dma_wait3A_215 = arith.constant 0 : i32
      %dma_wait3A_216 = tpu.memref_slice %arg6[%dma_wait3A, %mul3A_214, %dma_wait3A_215] : memref<2x1664x16xf32, #tpu.memory_space<vmem>> -> memref<1x128x16xf32, #tpu.memory_space<vmem>>
      %dma_wait3A_217 = tpu.memref_squeeze %dma_wait3A_216 : memref<1x128x16xf32, #tpu.memory_space<vmem>> -> memref<128x16xf32, #tpu.memory_space<vmem>>
      %dma_wait3A_218 = arith.constant 0 : i32
      %dma_wait3A_219 = tpu.memref_slice %arg5[%add3A_212, %dma_wait3A_218] : memref<104x128xi32, #tpu.memory_space<vmem>> -> memref<1x128xi32, #tpu.memory_space<vmem>>
      %dma_wait3A_220 = tpu.memref_squeeze %dma_wait3A_219 : memref<1x128xi32, #tpu.memory_space<vmem>> -> memref<128xi32, #tpu.memory_space<vmem>>
      %dma_wait3A_221 = arith.constant 0 : i32
      %dma_wait3A_222 = arith.constant 0 : i32
      %dma_wait3A_223 = tpu.memref_slice %arg3[%dma_wait3A_221, %dma_wait3A_222] : memref<2600000x16xf32, #tpu.memory_space<hbm>> -> memref<2600000x16xf32, #tpu.memory_space<hbm>>
      tpu.wait_indirect_dma semaphore(%arg7 : memref<!tpu.dma_semaphore, #tpu.memory_space<semaphore_mem>>) src(%dma_wait3A_223 : memref<2600000x16xf32, #tpu.memory_space<hbm>>) dst(%dma_wait3A_217 : memref<128x16xf32, #tpu.memory_space<vmem>>)
      %scan3A_224 = arith.constant 0 : i32
      scf.yield %scan3A_224 : i32
    }
    %scan3A_36 = arith.constant 13 : i32
    %add3A_37 = arith.constant 0 : i32
    %add3A_38 = arith.addi %mul3A_2, %add3A_37 : i32
    %mul3A_39 = arith.constant 128 : i32
    %mul3A_40 = arith.muli %add3A_38, %mul3A_39 : i32
    %run_scoped3A = arith.constant 0 : i32
    "tpu.region"() ({
      %run_scoped3A_209 = tpu.sem_alloc : memref<!tpu.dma_semaphore, #tpu.memory_space<semaphore_mem>>
      %dma_start3A = arith.constant 0 : i32
      %dma_start3A_210 = arith.constant 0 : i32
      %dma_start3A_211 = tpu.memref_slice %arg6[%run_scoped3A, %dma_start3A, %dma_start3A_210] : memref<2x1664x16xf32, #tpu.memory_space<vmem>> -> memref<1x1664x16xf32, #tpu.memory_space<vmem>>
      %dma_start3A_212 = tpu.memref_squeeze %dma_start3A_211 : memref<1x1664x16xf32, #tpu.memory_space<vmem>> -> memref<1664x16xf32, #tpu.memory_space<vmem>>
      %dma_start3A_213 = arith.constant 0 : i32
      %dma_start3A_214 = tpu.memref_slice %arg4[%mul3A_40, %dma_start3A_213] : memref<425984x16xf32, #tpu.memory_space<hbm>> -> memref<1664x16xf32, #tpu.memory_space<hbm>>
      %dma_start3A_215 = arith.constant 0 : i32
      %dma_start3A_216 = tpu.memref_slice %arg4[%mul3A_40, %dma_start3A_215] : memref<425984x16xf32, #tpu.memory_space<hbm>> -> memref<1664x16xf32, #tpu.memory_space<hbm>>
      %dma_start3A_217 = arith.constant 0 : i32
      %dma_start3A_218 = arith.constant 0 : i32
      %dma_start3A_219 = tpu.memref_slice %arg6[%run_scoped3A, %dma_start3A_217, %dma_start3A_218] : memref<2x1664x16xf32, #tpu.memory_space<vmem>> -> memref<1x1664x16xf32, #tpu.memory_space<vmem>>
      %dma_start3A_220 = tpu.memref_squeeze %dma_start3A_219 : memref<1x1664x16xf32, #tpu.memory_space<vmem>> -> memref<1664x16xf32, #tpu.memory_space<vmem>>
      tpu.enqueue_dma source(%dma_start3A_220 : memref<1664x16xf32, #tpu.memory_space<vmem>>) target(%dma_start3A_216 : memref<1664x16xf32, #tpu.memory_space<hbm>>) target_semaphore(%run_scoped3A_209 : memref<!tpu.dma_semaphore, #tpu.memory_space<semaphore_mem>>)
      %dma_wait3A = arith.constant 0 : i32
      %dma_wait3A_221 = arith.constant 0 : i32
      %dma_wait3A_222 = tpu.memref_slice %arg6[%run_scoped3A, %dma_wait3A, %dma_wait3A_221] : memref<2x1664x16xf32, #tpu.memory_space<vmem>> -> memref<1x1664x16xf32, #tpu.memory_space<vmem>>
      %dma_wait3A_223 = tpu.memref_squeeze %dma_wait3A_222 : memref<1x1664x16xf32, #tpu.memory_space<vmem>> -> memref<1664x16xf32, #tpu.memory_space<vmem>>
      %dma_wait3A_224 = arith.constant 0 : i32
      %dma_wait3A_225 = tpu.memref_slice %arg4[%mul3A_40, %dma_wait3A_224] : memref<425984x16xf32, #tpu.memory_space<hbm>> -> memref<1664x16xf32, #tpu.memory_space<hbm>>
      %dma_wait3A_226 = arith.constant 0 : i32
      %dma_wait3A_227 = tpu.memref_slice %arg4[%mul3A_40, %dma_wait3A_226] : memref<425984x16xf32, #tpu.memory_space<hbm>> -> memref<1664x16xf32, #tpu.memory_space<hbm>>
      %dma_wait3A_228 = arith.constant 0 : i32
      %dma_wait3A_229 = arith.constant 0 : i32
      %dma_wait3A_230 = tpu.memref_slice %arg6[%run_scoped3A, %dma_wait3A_228, %dma_wait3A_229] : memref<2x1664x16xf32, #tpu.memory_space<vmem>> -> memref<1x1664x16xf32, #tpu.memory_space<vmem>>
      %dma_wait3A_231 = tpu.memref_squeeze %dma_wait3A_230 : memref<1x1664x16xf32, #tpu.memory_space<vmem>> -> memref<1664x16xf32, #tpu.memory_space<vmem>>
      tpu.wait_dma2 semaphore(%run_scoped3A_209 : memref<!tpu.dma_semaphore, #tpu.memory_space<semaphore_mem>>) src(%dma_wait3A_231 : memref<1664x16xf32, #tpu.memory_space<vmem>>) dst(%dma_wait3A_227 : memref<1664x16xf32, #tpu.memory_space<hbm>>)
      tpu.yield
    }) : () -> ()
    %scan3A_41 = arith.constant 0 : i32
    %scan3A_42 = arith.constant 0 : i32
    %scan3A_43 = arith.constant 13 : i32
    %scan3A_44 = arith.addi %scan3A_42, %scan3A_43 : i32
    %scan3A_45 = arith.constant 1 : i32
    %scan3A_46 = scf.for %scan3A_209 = %scan3A_42 to %scan3A_44 step %scan3A_45 iter_args(%scan3A_210 = %scan3A_41) -> (i32)  : i32 {
      %add3A_211 = arith.constant 26 : i32
      %add3A_212 = arith.addi %add3A_211, %scan3A_209 : i32
      %scan3A_213 = arith.constant 0 : i32
      %scan3A_214 = arith.constant 0 : i32
      %scan3A_215 = arith.constant 8 : i32
      %scan3A_216 = arith.addi %scan3A_214, %scan3A_215 : i32
      %scan3A_217 = arith.constant 1 : i32
      %scan3A_218 = scf.for %scan3A_220 = %scan3A_214 to %scan3A_216 step %scan3A_217 iter_args(%scan3A_221 = %scan3A_213) -> (i32)  : i32 {
        %add3A_222 = arith.addi %mul3A_2, %add3A_212 : i32
        %mul3A_223 = arith.constant 128 : i32
        %mul3A_224 = arith.muli %add3A_222, %mul3A_223 : i32
        %mul3A_225 = arith.constant 16 : i32
        %mul3A_226 = arith.muli %scan3A_220, %mul3A_225 : i32
        %add3A_227 = arith.addi %mul3A_224, %mul3A_226 : i32
        %add3A_228 = vector.broadcast %add3A_227 : i32 to vector<16xi32>
        %add3A_229 = arith.addi %add3A_228, %iota3A : vector<16xi32>
        %rem3A = arith.constant 26 : i32
        %rem3A_230 = vector.broadcast %rem3A : i32 to vector<16xi32>
        %rem3A_231 = arith.remsi %add3A_229, %rem3A_230 : vector<16xi32>
        %mul3A_232 = arith.constant 16 : i32
        %mul3A_233 = arith.muli %scan3A_220, %mul3A_232 : i32
        %get3A = arith.index_cast %add3A_212 : i32 to index
        %get3A_234 = arith.index_cast %mul3A_233 : i32 to index
        %get3A_235 = tpu.vector_load %arg5[%get3A, %get3A_234] {strides = array<i32>} : memref<104x128xi32, #tpu.memory_space<vmem>>, vector<1x16xi32>,
        %get3A_236 = vector.shape_cast %get3A_235 : vector<1x16xi32> to vector<16xi32>
        %mul3A_237 = arith.constant 100000 : i32
        %mul3A_238 = vector.broadcast %mul3A_237 : i32 to vector<16xi32>
        %mul3A_239 = arith.muli %rem3A_231, %mul3A_238 : vector<16xi32>
        %add3A_240 = arith.addi %get3A_236, %mul3A_239 : vector<16xi32>
        %swap3A = arith.index_cast %add3A_212 : i32 to index
        %swap3A_241 = arith.index_cast %mul3A_233 : i32 to index
        %swap3A_242 = tpu.vector_load %arg5[%swap3A, %swap3A_241] {strides = array<i32>} : memref<104x128xi32, #tpu.memory_space<vmem>>, vector<1x16xi32>,
        %swap3A_243 = vector.shape_cast %swap3A_242 : vector<1x16xi32> to vector<16xi32>
        %swap3A_244 = vector.shape_cast %add3A_240 : vector<16xi32> to vector<1x16xi32>
        tpu.vector_store %arg5[%swap3A, %swap3A_241], %swap3A_244 {strides = array<i32>} : memref<104x128xi32, #tpu.memory_space<vmem>>, vector<1x16xi32>,
        %scan3A_245 = arith.constant 0 : i32
        scf.yield %scan3A_245 : i32
      }
      %scan3A_219 = arith.constant 8 : i32
      scf.yield %scan3A_218 : i32
    }
    %scan3A_47 = arith.constant 13 : i32
    %scan3A_48 = arith.constant 0 : i32
    %scan3A_49 = arith.constant 0 : i32
    %scan3A_50 = arith.constant 13 : i32
    %scan3A_51 = arith.addi %scan3A_49, %scan3A_50 : i32
    %scan3A_52 = arith.constant 1 : i32
    %scan3A_53 = scf.for %scan3A_209 = %scan3A_49 to %scan3A_51 step %scan3A_52 iter_args(%scan3A_210 = %scan3A_48) -> (i32)  : i32 {
      %add3A_211 = arith.constant 26 : i32
      %add3A_212 = arith.addi %add3A_211, %scan3A_209 : i32
      %mul3A_213 = arith.constant 128 : i32
      %mul3A_214 = arith.muli %scan3A_209, %mul3A_213 : i32
      %dma_start3A = arith.constant 0 : i32
      %dma_start3A_215 = arith.constant 0 : i32
      %dma_start3A_216 = tpu.memref_slice %arg6[%dma_start3A, %mul3A_214, %dma_start3A_215] : memref<2x1664x16xf32, #tpu.memory_space<vmem>> -> memref<1x128x16xf32, #tpu.memory_space<vmem>>
      %dma_start3A_217 = tpu.memref_squeeze %dma_start3A_216 : memref<1x128x16xf32, #tpu.memory_space<vmem>> -> memref<128x16xf32, #tpu.memory_space<vmem>>
      %dma_start3A_218 = arith.constant 0 : i32
      %dma_start3A_219 = tpu.memref_slice %arg5[%add3A_212, %dma_start3A_218] : memref<104x128xi32, #tpu.memory_space<vmem>> -> memref<1x128xi32, #tpu.memory_space<vmem>>
      %dma_start3A_220 = tpu.memref_squeeze %dma_start3A_219 : memref<1x128xi32, #tpu.memory_space<vmem>> -> memref<128xi32, #tpu.memory_space<vmem>>
      %dma_start3A_221 = arith.constant 0 : i32
      %dma_start3A_222 = arith.constant 0 : i32
      %dma_start3A_223 = tpu.memref_slice %arg3[%dma_start3A_221, %dma_start3A_222] : memref<2600000x16xf32, #tpu.memory_space<hbm>> -> memref<2600000x16xf32, #tpu.memory_space<hbm>>
      tpu.enqueue_indirect_dma source(%dma_start3A_223 : memref<2600000x16xf32, #tpu.memory_space<hbm>>) target(%dma_start3A_217 : memref<128x16xf32, #tpu.memory_space<vmem>>) offsets(%dma_start3A_220 : memref<128xi32, #tpu.memory_space<vmem>>) semaphore(%arg7 : memref<!tpu.dma_semaphore, #tpu.memory_space<semaphore_mem>>)
      %scan3A_224 = arith.constant 0 : i32
      scf.yield %scan3A_224 : i32
    }
    %scan3A_54 = arith.constant 13 : i32
    %scan3A_55 = arith.constant 0 : i32
    %scan3A_56 = arith.constant 0 : i32
    %scan3A_57 = arith.constant 13 : i32
    %scan3A_58 = arith.addi %scan3A_56, %scan3A_57 : i32
    %scan3A_59 = arith.constant 1 : i32
    %scan3A_60 = scf.for %scan3A_209 = %scan3A_56 to %scan3A_58 step %scan3A_59 iter_args(%scan3A_210 = %scan3A_55) -> (i32)  : i32 {
      %add3A_211 = arith.constant 13 : i32
      %add3A_212 = arith.addi %add3A_211, %scan3A_209 : i32
      %mul3A_213 = arith.constant 128 : i32
      %mul3A_214 = arith.muli %scan3A_209, %mul3A_213 : i32
      %dma_wait3A = arith.constant 1 : i32
      %dma_wait3A_215 = arith.constant 0 : i32
      %dma_wait3A_216 = tpu.memref_slice %arg6[%dma_wait3A, %mul3A_214, %dma_wait3A_215] : memref<2x1664x16xf32, #tpu.memory_space<vmem>> -> memref<1x128x16xf32, #tpu.memory_space<vmem>>
      %dma_wait3A_217 = tpu.memref_squeeze %dma_wait3A_216 : memref<1x128x16xf32, #tpu.memory_space<vmem>> -> memref<128x16xf32, #tpu.memory_space<vmem>>
      %dma_wait3A_218 = arith.constant 0 : i32
      %dma_wait3A_219 = tpu.memref_slice %arg5[%add3A_212, %dma_wait3A_218] : memref<104x128xi32, #tpu.memory_space<vmem>> -> memref<1x128xi32, #tpu.memory_space<vmem>>
      %dma_wait3A_220 = tpu.memref_squeeze %dma_wait3A_219 : memref<1x128xi32, #tpu.memory_space<vmem>> -> memref<128xi32, #tpu.memory_space<vmem>>
      %dma_wait3A_221 = arith.constant 0 : i32
      %dma_wait3A_222 = arith.constant 0 : i32
      %dma_wait3A_223 = tpu.memref_slice %arg3[%dma_wait3A_221, %dma_wait3A_222] : memref<2600000x16xf32, #tpu.memory_space<hbm>> -> memref<2600000x16xf32, #tpu.memory_space<hbm>>
      tpu.wait_indirect_dma semaphore(%arg8 : memref<!tpu.dma_semaphore, #tpu.memory_space<semaphore_mem>>) src(%dma_wait3A_223 : memref<2600000x16xf32, #tpu.memory_space<hbm>>) dst(%dma_wait3A_217 : memref<128x16xf32, #tpu.memory_space<vmem>>)
      %scan3A_224 = arith.constant 0 : i32
      scf.yield %scan3A_224 : i32
    }
    %scan3A_61 = arith.constant 13 : i32
    %add3A_62 = arith.constant 13 : i32
    %add3A_63 = arith.addi %mul3A_2, %add3A_62 : i32
    %mul3A_64 = arith.constant 128 : i32
    %mul3A_65 = arith.muli %add3A_63, %mul3A_64 : i32
    %run_scoped3A_66 = arith.constant 1 : i32
    "tpu.region"() ({
      %run_scoped3A_209 = tpu.sem_alloc : memref<!tpu.dma_semaphore, #tpu.memory_space<semaphore_mem>>
      %dma_start3A = arith.constant 0 : i32
      %dma_start3A_210 = arith.constant 0 : i32
      %dma_start3A_211 = tpu.memref_slice %arg6[%run_scoped3A_66, %dma_start3A, %dma_start3A_210] : memref<2x1664x16xf32, #tpu.memory_space<vmem>> -> memref<1x1664x16xf32, #tpu.memory_space<vmem>>
      %dma_start3A_212 = tpu.memref_squeeze %dma_start3A_211 : memref<1x1664x16xf32, #tpu.memory_space<vmem>> -> memref<1664x16xf32, #tpu.memory_space<vmem>>
      %dma_start3A_213 = arith.constant 0 : i32
      %dma_start3A_214 = tpu.memref_slice %arg4[%mul3A_65, %dma_start3A_213] : memref<425984x16xf32, #tpu.memory_space<hbm>> -> memref<1664x16xf32, #tpu.memory_space<hbm>>
      %dma_start3A_215 = arith.constant 0 : i32
      %dma_start3A_216 = tpu.memref_slice %arg4[%mul3A_65, %dma_start3A_215] : memref<425984x16xf32, #tpu.memory_space<hbm>> -> memref<1664x16xf32, #tpu.memory_space<hbm>>
      %dma_start3A_217 = arith.constant 0 : i32
      %dma_start3A_218 = arith.constant 0 : i32
      %dma_start3A_219 = tpu.memref_slice %arg6[%run_scoped3A_66, %dma_start3A_217, %dma_start3A_218] : memref<2x1664x16xf32, #tpu.memory_space<vmem>> -> memref<1x1664x16xf32, #tpu.memory_space<vmem>>
      %dma_start3A_220 = tpu.memref_squeeze %dma_start3A_219 : memref<1x1664x16xf32, #tpu.memory_space<vmem>> -> memref<1664x16xf32, #tpu.memory_space<vmem>>
      tpu.enqueue_dma source(%dma_start3A_220 : memref<1664x16xf32, #tpu.memory_space<vmem>>) target(%dma_start3A_216 : memref<1664x16xf32, #tpu.memory_space<hbm>>) target_semaphore(%run_scoped3A_209 : memref<!tpu.dma_semaphore, #tpu.memory_space<semaphore_mem>>)
      %dma_wait3A = arith.constant 0 : i32
      %dma_wait3A_221 = arith.constant 0 : i32
      %dma_wait3A_222 = tpu.memref_slice %arg6[%run_scoped3A_66, %dma_wait3A, %dma_wait3A_221] : memref<2x1664x16xf32, #tpu.memory_space<vmem>> -> memref<1x1664x16xf32, #tpu.memory_space<vmem>>
      %dma_wait3A_223 = tpu.memref_squeeze %dma_wait3A_222 : memref<1x1664x16xf32, #tpu.memory_space<vmem>> -> memref<1664x16xf32, #tpu.memory_space<vmem>>
      %dma_wait3A_224 = arith.constant 0 : i32
      %dma_wait3A_225 = tpu.memref_slice %arg4[%mul3A_65, %dma_wait3A_224] : memref<425984x16xf32, #tpu.memory_space<hbm>> -> memref<1664x16xf32, #tpu.memory_space<hbm>>
      %dma_wait3A_226 = arith.constant 0 : i32
      %dma_wait3A_227 = tpu.memref_slice %arg4[%mul3A_65, %dma_wait3A_226] : memref<425984x16xf32, #tpu.memory_space<hbm>> -> memref<1664x16xf32, #tpu.memory_space<hbm>>
      %dma_wait3A_228 = arith.constant 0 : i32
      %dma_wait3A_229 = arith.constant 0 : i32
      %dma_wait3A_230 = tpu.memref_slice %arg6[%run_scoped3A_66, %dma_wait3A_228, %dma_wait3A_229] : memref<2x1664x16xf32, #tpu.memory_space<vmem>> -> memref<1x1664x16xf32, #tpu.memory_space<vmem>>
      %dma_wait3A_231 = tpu.memref_squeeze %dma_wait3A_230 : memref<1x1664x16xf32, #tpu.memory_space<vmem>> -> memref<1664x16xf32, #tpu.memory_space<vmem>>
      tpu.wait_dma2 semaphore(%run_scoped3A_209 : memref<!tpu.dma_semaphore, #tpu.memory_space<semaphore_mem>>) src(%dma_wait3A_231 : memref<1664x16xf32, #tpu.memory_space<vmem>>) dst(%dma_wait3A_227 : memref<1664x16xf32, #tpu.memory_space<hbm>>)
      tpu.yield
    }) : () -> ()
    %scan3A_67 = arith.constant 0 : i32
    %scan3A_68 = arith.constant 0 : i32
    %scan3A_69 = arith.constant 13 : i32
    %scan3A_70 = arith.addi %scan3A_68, %scan3A_69 : i32
    %scan3A_71 = arith.constant 1 : i32
    %scan3A_72 = scf.for %scan3A_209 = %scan3A_68 to %scan3A_70 step %scan3A_71 iter_args(%scan3A_210 = %scan3A_67) -> (i32)  : i32 {
      %add3A_211 = arith.constant 39 : i32
      %add3A_212 = arith.addi %add3A_211, %scan3A_209 : i32
      %scan3A_213 = arith.constant 0 : i32
      %scan3A_214 = arith.constant 0 : i32
      %scan3A_215 = arith.constant 8 : i32
      %scan3A_216 = arith.addi %scan3A_214, %scan3A_215 : i32
      %scan3A_217 = arith.constant 1 : i32
      %scan3A_218 = scf.for %scan3A_220 = %scan3A_214 to %scan3A_216 step %scan3A_217 iter_args(%scan3A_221 = %scan3A_213) -> (i32)  : i32 {
        %add3A_222 = arith.addi %mul3A_2, %add3A_212 : i32
        %mul3A_223 = arith.constant 128 : i32
        %mul3A_224 = arith.muli %add3A_222, %mul3A_223 : i32
        %mul3A_225 = arith.constant 16 : i32
        %mul3A_226 = arith.muli %scan3A_220, %mul3A_225 : i32
        %add3A_227 = arith.addi %mul3A_224, %mul3A_226 : i32
        %add3A_228 = vector.broadcast %add3A_227 : i32 to vector<16xi32>
        %add3A_229 = arith.addi %add3A_228, %iota3A : vector<16xi32>
        %rem3A = arith.constant 26 : i32
        %rem3A_230 = vector.broadcast %rem3A : i32 to vector<16xi32>
        %rem3A_231 = arith.remsi %add3A_229, %rem3A_230 : vector<16xi32>
        %mul3A_232 = arith.constant 16 : i32
        %mul3A_233 = arith.muli %scan3A_220, %mul3A_232 : i32
        %get3A = arith.index_cast %add3A_212 : i32 to index
        %get3A_234 = arith.index_cast %mul3A_233 : i32 to index
        %get3A_235 = tpu.vector_load %arg5[%get3A, %get3A_234] {strides = array<i32>} : memref<104x128xi32, #tpu.memory_space<vmem>>, vector<1x16xi32>,
        %get3A_236 = vector.shape_cast %get3A_235 : vector<1x16xi32> to vector<16xi32>
        %mul3A_237 = arith.constant 100000 : i32
        %mul3A_238 = vector.broadcast %mul3A_237 : i32 to vector<16xi32>
        %mul3A_239 = arith.muli %rem3A_231, %mul3A_238 : vector<16xi32>
        %add3A_240 = arith.addi %get3A_236, %mul3A_239 : vector<16xi32>
        %swap3A = arith.index_cast %add3A_212 : i32 to index
        %swap3A_241 = arith.index_cast %mul3A_233 : i32 to index
        %swap3A_242 = tpu.vector_load %arg5[%swap3A, %swap3A_241] {strides = array<i32>} : memref<104x128xi32, #tpu.memory_space<vmem>>, vector<1x16xi32>,
        %swap3A_243 = vector.shape_cast %swap3A_242 : vector<1x16xi32> to vector<16xi32>
        %swap3A_244 = vector.shape_cast %add3A_240 : vector<16xi32> to vector<1x16xi32>
        tpu.vector_store %arg5[%swap3A, %swap3A_241], %swap3A_244 {strides = array<i32>} : memref<104x128xi32, #tpu.memory_space<vmem>>, vector<1x16xi32>,
        %scan3A_245 = arith.constant 0 : i32
        scf.yield %scan3A_245 : i32
      }
      %scan3A_219 = arith.constant 8 : i32
      scf.yield %scan3A_218 : i32
    }
    %scan3A_73 = arith.constant 13 : i32
    %scan3A_74 = arith.constant 0 : i32
    %scan3A_75 = arith.constant 0 : i32
    %scan3A_76 = arith.constant 13 : i32
    %scan3A_77 = arith.addi %scan3A_75, %scan3A_76 : i32
    %scan3A_78 = arith.constant 1 : i32
    %scan3A_79 = scf.for %scan3A_209 = %scan3A_75 to %scan3A_77 step %scan3A_78 iter_args(%scan3A_210 = %scan3A_74) -> (i32)  : i32 {
      %add3A_211 = arith.constant 39 : i32
      %add3A_212 = arith.addi %add3A_211, %scan3A_209 : i32
      %mul3A_213 = arith.constant 128 : i32
      %mul3A_214 = arith.muli %scan3A_209, %mul3A_213 : i32
      %dma_start3A = arith.constant 1 : i32
      %dma_start3A_215 = arith.constant 0 : i32
      %dma_start3A_216 = tpu.memref_slice %arg6[%dma_start3A, %mul3A_214, %dma_start3A_215] : memref<2x1664x16xf32, #tpu.memory_space<vmem>> -> memref<1x128x16xf32, #tpu.memory_space<vmem>>
      %dma_start3A_217 = tpu.memref_squeeze %dma_start3A_216 : memref<1x128x16xf32, #tpu.memory_space<vmem>> -> memref<128x16xf32, #tpu.memory_space<vmem>>
      %dma_start3A_218 = arith.constant 0 : i32
      %dma_start3A_219 = tpu.memref_slice %arg5[%add3A_212, %dma_start3A_218] : memref<104x128xi32, #tpu.memory_space<vmem>> -> memref<1x128xi32, #tpu.memory_space<vmem>>
      %dma_start3A_220 = tpu.memref_squeeze %dma_start3A_219 : memref<1x128xi32, #tpu.memory_space<vmem>> -> memref<128xi32, #tpu.memory_space<vmem>>
      %dma_start3A_221 = arith.constant 0 : i32
      %dma_start3A_222 = arith.constant 0 : i32
      %dma_start3A_223 = tpu.memref_slice %arg3[%dma_start3A_221, %dma_start3A_222] : memref<2600000x16xf32, #tpu.memory_space<hbm>> -> memref<2600000x16xf32, #tpu.memory_space<hbm>>
      tpu.enqueue_indirect_dma source(%dma_start3A_223 : memref<2600000x16xf32, #tpu.memory_space<hbm>>) target(%dma_start3A_217 : memref<128x16xf32, #tpu.memory_space<vmem>>) offsets(%dma_start3A_220 : memref<128xi32, #tpu.memory_space<vmem>>) semaphore(%arg8 : memref<!tpu.dma_semaphore, #tpu.memory_space<semaphore_mem>>)
      %scan3A_224 = arith.constant 0 : i32
      scf.yield %scan3A_224 : i32
    }
    %scan3A_80 = arith.constant 13 : i32
    %scan3A_81 = arith.constant 0 : i32
    %scan3A_82 = arith.constant 0 : i32
    %scan3A_83 = arith.constant 13 : i32
    %scan3A_84 = arith.addi %scan3A_82, %scan3A_83 : i32
    %scan3A_85 = arith.constant 1 : i32
    %scan3A_86 = scf.for %scan3A_209 = %scan3A_82 to %scan3A_84 step %scan3A_85 iter_args(%scan3A_210 = %scan3A_81) -> (i32)  : i32 {
      %add3A_211 = arith.constant 26 : i32
      %add3A_212 = arith.addi %add3A_211, %scan3A_209 : i32
      %mul3A_213 = arith.constant 128 : i32
      %mul3A_214 = arith.muli %scan3A_209, %mul3A_213 : i32
      %dma_wait3A = arith.constant 0 : i32
      %dma_wait3A_215 = arith.constant 0 : i32
      %dma_wait3A_216 = tpu.memref_slice %arg6[%dma_wait3A, %mul3A_214, %dma_wait3A_215] : memref<2x1664x16xf32, #tpu.memory_space<vmem>> -> memref<1x128x16xf32, #tpu.memory_space<vmem>>
      %dma_wait3A_217 = tpu.memref_squeeze %dma_wait3A_216 : memref<1x128x16xf32, #tpu.memory_space<vmem>> -> memref<128x16xf32, #tpu.memory_space<vmem>>
      %dma_wait3A_218 = arith.constant 0 : i32
      %dma_wait3A_219 = tpu.memref_slice %arg5[%add3A_212, %dma_wait3A_218] : memref<104x128xi32, #tpu.memory_space<vmem>> -> memref<1x128xi32, #tpu.memory_space<vmem>>
      %dma_wait3A_220 = tpu.memref_squeeze %dma_wait3A_219 : memref<1x128xi32, #tpu.memory_space<vmem>> -> memref<128xi32, #tpu.memory_space<vmem>>
      %dma_wait3A_221 = arith.constant 0 : i32
      %dma_wait3A_222 = arith.constant 0 : i32
      %dma_wait3A_223 = tpu.memref_slice %arg3[%dma_wait3A_221, %dma_wait3A_222] : memref<2600000x16xf32, #tpu.memory_space<hbm>> -> memref<2600000x16xf32, #tpu.memory_space<hbm>>
      tpu.wait_indirect_dma semaphore(%arg7 : memref<!tpu.dma_semaphore, #tpu.memory_space<semaphore_mem>>) src(%dma_wait3A_223 : memref<2600000x16xf32, #tpu.memory_space<hbm>>) dst(%dma_wait3A_217 : memref<128x16xf32, #tpu.memory_space<vmem>>)
      %scan3A_224 = arith.constant 0 : i32
      scf.yield %scan3A_224 : i32
    }
    %scan3A_87 = arith.constant 13 : i32
    %add3A_88 = arith.constant 26 : i32
    %add3A_89 = arith.addi %mul3A_2, %add3A_88 : i32
    %mul3A_90 = arith.constant 128 : i32
    %mul3A_91 = arith.muli %add3A_89, %mul3A_90 : i32
    %run_scoped3A_92 = arith.constant 0 : i32
    "tpu.region"() ({
      %run_scoped3A_209 = tpu.sem_alloc : memref<!tpu.dma_semaphore, #tpu.memory_space<semaphore_mem>>
      %dma_start3A = arith.constant 0 : i32
      %dma_start3A_210 = arith.constant 0 : i32
      %dma_start3A_211 = tpu.memref_slice %arg6[%run_scoped3A_92, %dma_start3A, %dma_start3A_210] : memref<2x1664x16xf32, #tpu.memory_space<vmem>> -> memref<1x1664x16xf32, #tpu.memory_space<vmem>>
      %dma_start3A_212 = tpu.memref_squeeze %dma_start3A_211 : memref<1x1664x16xf32, #tpu.memory_space<vmem>> -> memref<1664x16xf32, #tpu.memory_space<vmem>>
      %dma_start3A_213 = arith.constant 0 : i32
      %dma_start3A_214 = tpu.memref_slice %arg4[%mul3A_91, %dma_start3A_213] : memref<425984x16xf32, #tpu.memory_space<hbm>> -> memref<1664x16xf32, #tpu.memory_space<hbm>>
      %dma_start3A_215 = arith.constant 0 : i32
      %dma_start3A_216 = tpu.memref_slice %arg4[%mul3A_91, %dma_start3A_215] : memref<425984x16xf32, #tpu.memory_space<hbm>> -> memref<1664x16xf32, #tpu.memory_space<hbm>>
      %dma_start3A_217 = arith.constant 0 : i32
      %dma_start3A_218 = arith.constant 0 : i32
      %dma_start3A_219 = tpu.memref_slice %arg6[%run_scoped3A_92, %dma_start3A_217, %dma_start3A_218] : memref<2x1664x16xf32, #tpu.memory_space<vmem>> -> memref<1x1664x16xf32, #tpu.memory_space<vmem>>
      %dma_start3A_220 = tpu.memref_squeeze %dma_start3A_219 : memref<1x1664x16xf32, #tpu.memory_space<vmem>> -> memref<1664x16xf32, #tpu.memory_space<vmem>>
      tpu.enqueue_dma source(%dma_start3A_220 : memref<1664x16xf32, #tpu.memory_space<vmem>>) target(%dma_start3A_216 : memref<1664x16xf32, #tpu.memory_space<hbm>>) target_semaphore(%run_scoped3A_209 : memref<!tpu.dma_semaphore, #tpu.memory_space<semaphore_mem>>)
      %dma_wait3A = arith.constant 0 : i32
      %dma_wait3A_221 = arith.constant 0 : i32
      %dma_wait3A_222 = tpu.memref_slice %arg6[%run_scoped3A_92, %dma_wait3A, %dma_wait3A_221] : memref<2x1664x16xf32, #tpu.memory_space<vmem>> -> memref<1x1664x16xf32, #tpu.memory_space<vmem>>
      %dma_wait3A_223 = tpu.memref_squeeze %dma_wait3A_222 : memref<1x1664x16xf32, #tpu.memory_space<vmem>> -> memref<1664x16xf32, #tpu.memory_space<vmem>>
      %dma_wait3A_224 = arith.constant 0 : i32
      %dma_wait3A_225 = tpu.memref_slice %arg4[%mul3A_91, %dma_wait3A_224] : memref<425984x16xf32, #tpu.memory_space<hbm>> -> memref<1664x16xf32, #tpu.memory_space<hbm>>
      %dma_wait3A_226 = arith.constant 0 : i32
      %dma_wait3A_227 = tpu.memref_slice %arg4[%mul3A_91, %dma_wait3A_226] : memref<425984x16xf32, #tpu.memory_space<hbm>> -> memref<1664x16xf32, #tpu.memory_space<hbm>>
      %dma_wait3A_228 = arith.constant 0 : i32
      %dma_wait3A_229 = arith.constant 0 : i32
      %dma_wait3A_230 = tpu.memref_slice %arg6[%run_scoped3A_92, %dma_wait3A_228, %dma_wait3A_229] : memref<2x1664x16xf32, #tpu.memory_space<vmem>> -> memref<1x1664x16xf32, #tpu.memory_space<vmem>>
      %dma_wait3A_231 = tpu.memref_squeeze %dma_wait3A_230 : memref<1x1664x16xf32, #tpu.memory_space<vmem>> -> memref<1664x16xf32, #tpu.memory_space<vmem>>
      tpu.wait_dma2 semaphore(%run_scoped3A_209 : memref<!tpu.dma_semaphore, #tpu.memory_space<semaphore_mem>>) src(%dma_wait3A_231 : memref<1664x16xf32, #tpu.memory_space<vmem>>) dst(%dma_wait3A_227 : memref<1664x16xf32, #tpu.memory_space<hbm>>)
      tpu.yield
    }) : () -> ()
    %scan3A_93 = arith.constant 0 : i32
    %scan3A_94 = arith.constant 0 : i32
    %scan3A_95 = arith.constant 13 : i32
    %scan3A_96 = arith.addi %scan3A_94, %scan3A_95 : i32
    %scan3A_97 = arith.constant 1 : i32
    %scan3A_98 = scf.for %scan3A_209 = %scan3A_94 to %scan3A_96 step %scan3A_97 iter_args(%scan3A_210 = %scan3A_93) -> (i32)  : i32 {
      %add3A_211 = arith.constant 52 : i32
      %add3A_212 = arith.addi %add3A_211, %scan3A_209 : i32
      %scan3A_213 = arith.constant 0 : i32
      %scan3A_214 = arith.constant 0 : i32
      %scan3A_215 = arith.constant 8 : i32
      %scan3A_216 = arith.addi %scan3A_214, %scan3A_215 : i32
      %scan3A_217 = arith.constant 1 : i32
      %scan3A_218 = scf.for %scan3A_220 = %scan3A_214 to %scan3A_216 step %scan3A_217 iter_args(%scan3A_221 = %scan3A_213) -> (i32)  : i32 {
        %add3A_222 = arith.addi %mul3A_2, %add3A_212 : i32
        %mul3A_223 = arith.constant 128 : i32
        %mul3A_224 = arith.muli %add3A_222, %mul3A_223 : i32
        %mul3A_225 = arith.constant 16 : i32
        %mul3A_226 = arith.muli %scan3A_220, %mul3A_225 : i32
        %add3A_227 = arith.addi %mul3A_224, %mul3A_226 : i32
        %add3A_228 = vector.broadcast %add3A_227 : i32 to vector<16xi32>
        %add3A_229 = arith.addi %add3A_228, %iota3A : vector<16xi32>
        %rem3A = arith.constant 26 : i32
        %rem3A_230 = vector.broadcast %rem3A : i32 to vector<16xi32>
        %rem3A_231 = arith.remsi %add3A_229, %rem3A_230 : vector<16xi32>
        %mul3A_232 = arith.constant 16 : i32
        %mul3A_233 = arith.muli %scan3A_220, %mul3A_232 : i32
        %get3A = arith.index_cast %add3A_212 : i32 to index
        %get3A_234 = arith.index_cast %mul3A_233 : i32 to index
        %get3A_235 = tpu.vector_load %arg5[%get3A, %get3A_234] {strides = array<i32>} : memref<104x128xi32, #tpu.memory_space<vmem>>, vector<1x16xi32>,
        %get3A_236 = vector.shape_cast %get3A_235 : vector<1x16xi32> to vector<16xi32>
        %mul3A_237 = arith.constant 100000 : i32
        %mul3A_238 = vector.broadcast %mul3A_237 : i32 to vector<16xi32>
        %mul3A_239 = arith.muli %rem3A_231, %mul3A_238 : vector<16xi32>
        %add3A_240 = arith.addi %get3A_236, %mul3A_239 : vector<16xi32>
        %swap3A = arith.index_cast %add3A_212 : i32 to index
        %swap3A_241 = arith.index_cast %mul3A_233 : i32 to index
        %swap3A_242 = tpu.vector_load %arg5[%swap3A, %swap3A_241] {strides = array<i32>} : memref<104x128xi32, #tpu.memory_space<vmem>>, vector<1x16xi32>,
        %swap3A_243 = vector.shape_cast %swap3A_242 : vector<1x16xi32> to vector<16xi32>
        %swap3A_244 = vector.shape_cast %add3A_240 : vector<16xi32> to vector<1x16xi32>
        tpu.vector_store %arg5[%swap3A, %swap3A_241], %swap3A_244 {strides = array<i32>} : memref<104x128xi32, #tpu.memory_space<vmem>>, vector<1x16xi32>,
        %scan3A_245 = arith.constant 0 : i32
        scf.yield %scan3A_245 : i32
      }
      %scan3A_219 = arith.constant 8 : i32
      scf.yield %scan3A_218 : i32
    }
    %scan3A_99 = arith.constant 13 : i32
    %scan3A_100 = arith.constant 0 : i32
    %scan3A_101 = arith.constant 0 : i32
    %scan3A_102 = arith.constant 13 : i32
    %scan3A_103 = arith.addi %scan3A_101, %scan3A_102 : i32
    %scan3A_104 = arith.constant 1 : i32
    %scan3A_105 = scf.for %scan3A_209 = %scan3A_101 to %scan3A_103 step %scan3A_104 iter_args(%scan3A_210 = %scan3A_100) -> (i32)  : i32 {
      %add3A_211 = arith.constant 52 : i32
      %add3A_212 = arith.addi %add3A_211, %scan3A_209 : i32
      %mul3A_213 = arith.constant 128 : i32
      %mul3A_214 = arith.muli %scan3A_209, %mul3A_213 : i32
      %dma_start3A = arith.constant 0 : i32
      %dma_start3A_215 = arith.constant 0 : i32
      %dma_start3A_216 = tpu.memref_slice %arg6[%dma_start3A, %mul3A_214, %dma_start3A_215] : memref<2x1664x16xf32, #tpu.memory_space<vmem>> -> memref<1x128x16xf32, #tpu.memory_space<vmem>>
      %dma_start3A_217 = tpu.memref_squeeze %dma_start3A_216 : memref<1x128x16xf32, #tpu.memory_space<vmem>> -> memref<128x16xf32, #tpu.memory_space<vmem>>
      %dma_start3A_218 = arith.constant 0 : i32
      %dma_start3A_219 = tpu.memref_slice %arg5[%add3A_212, %dma_start3A_218] : memref<104x128xi32, #tpu.memory_space<vmem>> -> memref<1x128xi32, #tpu.memory_space<vmem>>
      %dma_start3A_220 = tpu.memref_squeeze %dma_start3A_219 : memref<1x128xi32, #tpu.memory_space<vmem>> -> memref<128xi32, #tpu.memory_space<vmem>>
      %dma_start3A_221 = arith.constant 0 : i32
      %dma_start3A_222 = arith.constant 0 : i32
      %dma_start3A_223 = tpu.memref_slice %arg3[%dma_start3A_221, %dma_start3A_222] : memref<2600000x16xf32, #tpu.memory_space<hbm>> -> memref<2600000x16xf32, #tpu.memory_space<hbm>>
      tpu.enqueue_indirect_dma source(%dma_start3A_223 : memref<2600000x16xf32, #tpu.memory_space<hbm>>) target(%dma_start3A_217 : memref<128x16xf32, #tpu.memory_space<vmem>>) offsets(%dma_start3A_220 : memref<128xi32, #tpu.memory_space<vmem>>) semaphore(%arg7 : memref<!tpu.dma_semaphore, #tpu.memory_space<semaphore_mem>>)
      %scan3A_224 = arith.constant 0 : i32
      scf.yield %scan3A_224 : i32
    }
    %scan3A_106 = arith.constant 13 : i32
    %scan3A_107 = arith.constant 0 : i32
    %scan3A_108 = arith.constant 0 : i32
    %scan3A_109 = arith.constant 13 : i32
    %scan3A_110 = arith.addi %scan3A_108, %scan3A_109 : i32
    %scan3A_111 = arith.constant 1 : i32
    %scan3A_112 = scf.for %scan3A_209 = %scan3A_108 to %scan3A_110 step %scan3A_111 iter_args(%scan3A_210 = %scan3A_107) -> (i32)  : i32 {
      %add3A_211 = arith.constant 39 : i32
      %add3A_212 = arith.addi %add3A_211, %scan3A_209 : i32
      %mul3A_213 = arith.constant 128 : i32
      %mul3A_214 = arith.muli %scan3A_209, %mul3A_213 : i32
      %dma_wait3A = arith.constant 1 : i32
      %dma_wait3A_215 = arith.constant 0 : i32
      %dma_wait3A_216 = tpu.memref_slice %arg6[%dma_wait3A, %mul3A_214, %dma_wait3A_215] : memref<2x1664x16xf32, #tpu.memory_space<vmem>> -> memref<1x128x16xf32, #tpu.memory_space<vmem>>
      %dma_wait3A_217 = tpu.memref_squeeze %dma_wait3A_216 : memref<1x128x16xf32, #tpu.memory_space<vmem>> -> memref<128x16xf32, #tpu.memory_space<vmem>>
      %dma_wait3A_218 = arith.constant 0 : i32
      %dma_wait3A_219 = tpu.memref_slice %arg5[%add3A_212, %dma_wait3A_218] : memref<104x128xi32, #tpu.memory_space<vmem>> -> memref<1x128xi32, #tpu.memory_space<vmem>>
      %dma_wait3A_220 = tpu.memref_squeeze %dma_wait3A_219 : memref<1x128xi32, #tpu.memory_space<vmem>> -> memref<128xi32, #tpu.memory_space<vmem>>
      %dma_wait3A_221 = arith.constant 0 : i32
      %dma_wait3A_222 = arith.constant 0 : i32
      %dma_wait3A_223 = tpu.memref_slice %arg3[%dma_wait3A_221, %dma_wait3A_222] : memref<2600000x16xf32, #tpu.memory_space<hbm>> -> memref<2600000x16xf32, #tpu.memory_space<hbm>>
      tpu.wait_indirect_dma semaphore(%arg8 : memref<!tpu.dma_semaphore, #tpu.memory_space<semaphore_mem>>) src(%dma_wait3A_223 : memref<2600000x16xf32, #tpu.memory_space<hbm>>) dst(%dma_wait3A_217 : memref<128x16xf32, #tpu.memory_space<vmem>>)
      %scan3A_224 = arith.constant 0 : i32
      scf.yield %scan3A_224 : i32
    }
    %scan3A_113 = arith.constant 13 : i32
    %add3A_114 = arith.constant 39 : i32
    %add3A_115 = arith.addi %mul3A_2, %add3A_114 : i32
    %mul3A_116 = arith.constant 128 : i32
    %mul3A_117 = arith.muli %add3A_115, %mul3A_116 : i32
    %run_scoped3A_118 = arith.constant 1 : i32
    "tpu.region"() ({
      %run_scoped3A_209 = tpu.sem_alloc : memref<!tpu.dma_semaphore, #tpu.memory_space<semaphore_mem>>
      %dma_start3A = arith.constant 0 : i32
      %dma_start3A_210 = arith.constant 0 : i32
      %dma_start3A_211 = tpu.memref_slice %arg6[%run_scoped3A_118, %dma_start3A, %dma_start3A_210] : memref<2x1664x16xf32, #tpu.memory_space<vmem>> -> memref<1x1664x16xf32, #tpu.memory_space<vmem>>
      %dma_start3A_212 = tpu.memref_squeeze %dma_start3A_211 : memref<1x1664x16xf32, #tpu.memory_space<vmem>> -> memref<1664x16xf32, #tpu.memory_space<vmem>>
      %dma_start3A_213 = arith.constant 0 : i32
      %dma_start3A_214 = tpu.memref_slice %arg4[%mul3A_117, %dma_start3A_213] : memref<425984x16xf32, #tpu.memory_space<hbm>> -> memref<1664x16xf32, #tpu.memory_space<hbm>>
      %dma_start3A_215 = arith.constant 0 : i32
      %dma_start3A_216 = tpu.memref_slice %arg4[%mul3A_117, %dma_start3A_215] : memref<425984x16xf32, #tpu.memory_space<hbm>> -> memref<1664x16xf32, #tpu.memory_space<hbm>>
      %dma_start3A_217 = arith.constant 0 : i32
      %dma_start3A_218 = arith.constant 0 : i32
      %dma_start3A_219 = tpu.memref_slice %arg6[%run_scoped3A_118, %dma_start3A_217, %dma_start3A_218] : memref<2x1664x16xf32, #tpu.memory_space<vmem>> -> memref<1x1664x16xf32, #tpu.memory_space<vmem>>
      %dma_start3A_220 = tpu.memref_squeeze %dma_start3A_219 : memref<1x1664x16xf32, #tpu.memory_space<vmem>> -> memref<1664x16xf32, #tpu.memory_space<vmem>>
      tpu.enqueue_dma source(%dma_start3A_220 : memref<1664x16xf32, #tpu.memory_space<vmem>>) target(%dma_start3A_216 : memref<1664x16xf32, #tpu.memory_space<hbm>>) target_semaphore(%run_scoped3A_209 : memref<!tpu.dma_semaphore, #tpu.memory_space<semaphore_mem>>)
      %dma_wait3A = arith.constant 0 : i32
      %dma_wait3A_221 = arith.constant 0 : i32
      %dma_wait3A_222 = tpu.memref_slice %arg6[%run_scoped3A_118, %dma_wait3A, %dma_wait3A_221] : memref<2x1664x16xf32, #tpu.memory_space<vmem>> -> memref<1x1664x16xf32, #tpu.memory_space<vmem>>
      %dma_wait3A_223 = tpu.memref_squeeze %dma_wait3A_222 : memref<1x1664x16xf32, #tpu.memory_space<vmem>> -> memref<1664x16xf32, #tpu.memory_space<vmem>>
      %dma_wait3A_224 = arith.constant 0 : i32
      %dma_wait3A_225 = tpu.memref_slice %arg4[%mul3A_117, %dma_wait3A_224] : memref<425984x16xf32, #tpu.memory_space<hbm>> -> memref<1664x16xf32, #tpu.memory_space<hbm>>
      %dma_wait3A_226 = arith.constant 0 : i32
      %dma_wait3A_227 = tpu.memref_slice %arg4[%mul3A_117, %dma_wait3A_226] : memref<425984x16xf32, #tpu.memory_space<hbm>> -> memref<1664x16xf32, #tpu.memory_space<hbm>>
      %dma_wait3A_228 = arith.constant 0 : i32
      %dma_wait3A_229 = arith.constant 0 : i32
      %dma_wait3A_230 = tpu.memref_slice %arg6[%run_scoped3A_118, %dma_wait3A_228, %dma_wait3A_229] : memref<2x1664x16xf32, #tpu.memory_space<vmem>> -> memref<1x1664x16xf32, #tpu.memory_space<vmem>>
      %dma_wait3A_231 = tpu.memref_squeeze %dma_wait3A_230 : memref<1x1664x16xf32, #tpu.memory_space<vmem>> -> memref<1664x16xf32, #tpu.memory_space<vmem>>
      tpu.wait_dma2 semaphore(%run_scoped3A_209 : memref<!tpu.dma_semaphore, #tpu.memory_space<semaphore_mem>>) src(%dma_wait3A_231 : memref<1664x16xf32, #tpu.memory_space<vmem>>) dst(%dma_wait3A_227 : memref<1664x16xf32, #tpu.memory_space<hbm>>)
      tpu.yield
    }) : () -> ()
    %scan3A_119 = arith.constant 0 : i32
    %scan3A_120 = arith.constant 0 : i32
    %scan3A_121 = arith.constant 13 : i32
    %scan3A_122 = arith.addi %scan3A_120, %scan3A_121 : i32
    %scan3A_123 = arith.constant 1 : i32
    %scan3A_124 = scf.for %scan3A_209 = %scan3A_120 to %scan3A_122 step %scan3A_123 iter_args(%scan3A_210 = %scan3A_119) -> (i32)  : i32 {
      %add3A_211 = arith.constant 65 : i32
      %add3A_212 = arith.addi %add3A_211, %scan3A_209 : i32
      %scan3A_213 = arith.constant 0 : i32
      %scan3A_214 = arith.constant 0 : i32
      %scan3A_215 = arith.constant 8 : i32
      %scan3A_216 = arith.addi %scan3A_214, %scan3A_215 : i32
      %scan3A_217 = arith.constant 1 : i32
      %scan3A_218 = scf.for %scan3A_220 = %scan3A_214 to %scan3A_216 step %scan3A_217 iter_args(%scan3A_221 = %scan3A_213) -> (i32)  : i32 {
        %add3A_222 = arith.addi %mul3A_2, %add3A_212 : i32
        %mul3A_223 = arith.constant 128 : i32
        %mul3A_224 = arith.muli %add3A_222, %mul3A_223 : i32
        %mul3A_225 = arith.constant 16 : i32
        %mul3A_226 = arith.muli %scan3A_220, %mul3A_225 : i32
        %add3A_227 = arith.addi %mul3A_224, %mul3A_226 : i32
        %add3A_228 = vector.broadcast %add3A_227 : i32 to vector<16xi32>
        %add3A_229 = arith.addi %add3A_228, %iota3A : vector<16xi32>
        %rem3A = arith.constant 26 : i32
        %rem3A_230 = vector.broadcast %rem3A : i32 to vector<16xi32>
        %rem3A_231 = arith.remsi %add3A_229, %rem3A_230 : vector<16xi32>
        %mul3A_232 = arith.constant 16 : i32
        %mul3A_233 = arith.muli %scan3A_220, %mul3A_232 : i32
        %get3A = arith.index_cast %add3A_212 : i32 to index
        %get3A_234 = arith.index_cast %mul3A_233 : i32 to index
        %get3A_235 = tpu.vector_load %arg5[%get3A, %get3A_234] {strides = array<i32>} : memref<104x128xi32, #tpu.memory_space<vmem>>, vector<1x16xi32>,
        %get3A_236 = vector.shape_cast %get3A_235 : vector<1x16xi32> to vector<16xi32>
        %mul3A_237 = arith.constant 100000 : i32
        %mul3A_238 = vector.broadcast %mul3A_237 : i32 to vector<16xi32>
        %mul3A_239 = arith.muli %rem3A_231, %mul3A_238 : vector<16xi32>
        %add3A_240 = arith.addi %get3A_236, %mul3A_239 : vector<16xi32>
        %swap3A = arith.index_cast %add3A_212 : i32 to index
        %swap3A_241 = arith.index_cast %mul3A_233 : i32 to index
        %swap3A_242 = tpu.vector_load %arg5[%swap3A, %swap3A_241] {strides = array<i32>} : memref<104x128xi32, #tpu.memory_space<vmem>>, vector<1x16xi32>,
        %swap3A_243 = vector.shape_cast %swap3A_242 : vector<1x16xi32> to vector<16xi32>
        %swap3A_244 = vector.shape_cast %add3A_240 : vector<16xi32> to vector<1x16xi32>
        tpu.vector_store %arg5[%swap3A, %swap3A_241], %swap3A_244 {strides = array<i32>} : memref<104x128xi32, #tpu.memory_space<vmem>>, vector<1x16xi32>,
        %scan3A_245 = arith.constant 0 : i32
        scf.yield %scan3A_245 : i32
      }
      %scan3A_219 = arith.constant 8 : i32
      scf.yield %scan3A_218 : i32
    }
    %scan3A_125 = arith.constant 13 : i32
    %scan3A_126 = arith.constant 0 : i32
    %scan3A_127 = arith.constant 0 : i32
    %scan3A_128 = arith.constant 13 : i32
    %scan3A_129 = arith.addi %scan3A_127, %scan3A_128 : i32
    %scan3A_130 = arith.constant 1 : i32
    %scan3A_131 = scf.for %scan3A_209 = %scan3A_127 to %scan3A_129 step %scan3A_130 iter_args(%scan3A_210 = %scan3A_126) -> (i32)  : i32 {
      %add3A_211 = arith.constant 65 : i32
      %add3A_212 = arith.addi %add3A_211, %scan3A_209 : i32
      %mul3A_213 = arith.constant 128 : i32
      %mul3A_214 = arith.muli %scan3A_209, %mul3A_213 : i32
      %dma_start3A = arith.constant 1 : i32
      %dma_start3A_215 = arith.constant 0 : i32
      %dma_start3A_216 = tpu.memref_slice %arg6[%dma_start3A, %mul3A_214, %dma_start3A_215] : memref<2x1664x16xf32, #tpu.memory_space<vmem>> -> memref<1x128x16xf32, #tpu.memory_space<vmem>>
      %dma_start3A_217 = tpu.memref_squeeze %dma_start3A_216 : memref<1x128x16xf32, #tpu.memory_space<vmem>> -> memref<128x16xf32, #tpu.memory_space<vmem>>
      %dma_start3A_218 = arith.constant 0 : i32
      %dma_start3A_219 = tpu.memref_slice %arg5[%add3A_212, %dma_start3A_218] : memref<104x128xi32, #tpu.memory_space<vmem>> -> memref<1x128xi32, #tpu.memory_space<vmem>>
      %dma_start3A_220 = tpu.memref_squeeze %dma_start3A_219 : memref<1x128xi32, #tpu.memory_space<vmem>> -> memref<128xi32, #tpu.memory_space<vmem>>
      %dma_start3A_221 = arith.constant 0 : i32
      %dma_start3A_222 = arith.constant 0 : i32
      %dma_start3A_223 = tpu.memref_slice %arg3[%dma_start3A_221, %dma_start3A_222] : memref<2600000x16xf32, #tpu.memory_space<hbm>> -> memref<2600000x16xf32, #tpu.memory_space<hbm>>
      tpu.enqueue_indirect_dma source(%dma_start3A_223 : memref<2600000x16xf32, #tpu.memory_space<hbm>>) target(%dma_start3A_217 : memref<128x16xf32, #tpu.memory_space<vmem>>) offsets(%dma_start3A_220 : memref<128xi32, #tpu.memory_space<vmem>>) semaphore(%arg8 : memref<!tpu.dma_semaphore, #tpu.memory_space<semaphore_mem>>)
      %scan3A_224 = arith.constant 0 : i32
      scf.yield %scan3A_224 : i32
    }
    %scan3A_132 = arith.constant 13 : i32
    %scan3A_133 = arith.constant 0 : i32
    %scan3A_134 = arith.constant 0 : i32
    %scan3A_135 = arith.constant 13 : i32
    %scan3A_136 = arith.addi %scan3A_134, %scan3A_135 : i32
    %scan3A_137 = arith.constant 1 : i32
    %scan3A_138 = scf.for %scan3A_209 = %scan3A_134 to %scan3A_136 step %scan3A_137 iter_args(%scan3A_210 = %scan3A_133) -> (i32)  : i32 {
      %add3A_211 = arith.constant 52 : i32
      %add3A_212 = arith.addi %add3A_211, %scan3A_209 : i32
      %mul3A_213 = arith.constant 128 : i32
      %mul3A_214 = arith.muli %scan3A_209, %mul3A_213 : i32
      %dma_wait3A = arith.constant 0 : i32
      %dma_wait3A_215 = arith.constant 0 : i32
      %dma_wait3A_216 = tpu.memref_slice %arg6[%dma_wait3A, %mul3A_214, %dma_wait3A_215] : memref<2x1664x16xf32, #tpu.memory_space<vmem>> -> memref<1x128x16xf32, #tpu.memory_space<vmem>>
      %dma_wait3A_217 = tpu.memref_squeeze %dma_wait3A_216 : memref<1x128x16xf32, #tpu.memory_space<vmem>> -> memref<128x16xf32, #tpu.memory_space<vmem>>
      %dma_wait3A_218 = arith.constant 0 : i32
      %dma_wait3A_219 = tpu.memref_slice %arg5[%add3A_212, %dma_wait3A_218] : memref<104x128xi32, #tpu.memory_space<vmem>> -> memref<1x128xi32, #tpu.memory_space<vmem>>
      %dma_wait3A_220 = tpu.memref_squeeze %dma_wait3A_219 : memref<1x128xi32, #tpu.memory_space<vmem>> -> memref<128xi32, #tpu.memory_space<vmem>>
      %dma_wait3A_221 = arith.constant 0 : i32
      %dma_wait3A_222 = arith.constant 0 : i32
      %dma_wait3A_223 = tpu.memref_slice %arg3[%dma_wait3A_221, %dma_wait3A_222] : memref<2600000x16xf32, #tpu.memory_space<hbm>> -> memref<2600000x16xf32, #tpu.memory_space<hbm>>
      tpu.wait_indirect_dma semaphore(%arg7 : memref<!tpu.dma_semaphore, #tpu.memory_space<semaphore_mem>>) src(%dma_wait3A_223 : memref<2600000x16xf32, #tpu.memory_space<hbm>>) dst(%dma_wait3A_217 : memref<128x16xf32, #tpu.memory_space<vmem>>)
      %scan3A_224 = arith.constant 0 : i32
      scf.yield %scan3A_224 : i32
    }
    %scan3A_139 = arith.constant 13 : i32
    %add3A_140 = arith.constant 52 : i32
    %add3A_141 = arith.addi %mul3A_2, %add3A_140 : i32
    %mul3A_142 = arith.constant 128 : i32
    %mul3A_143 = arith.muli %add3A_141, %mul3A_142 : i32
    %run_scoped3A_144 = arith.constant 0 : i32
    "tpu.region"() ({
      %run_scoped3A_209 = tpu.sem_alloc : memref<!tpu.dma_semaphore, #tpu.memory_space<semaphore_mem>>
      %dma_start3A = arith.constant 0 : i32
      %dma_start3A_210 = arith.constant 0 : i32
      %dma_start3A_211 = tpu.memref_slice %arg6[%run_scoped3A_144, %dma_start3A, %dma_start3A_210] : memref<2x1664x16xf32, #tpu.memory_space<vmem>> -> memref<1x1664x16xf32, #tpu.memory_space<vmem>>
      %dma_start3A_212 = tpu.memref_squeeze %dma_start3A_211 : memref<1x1664x16xf32, #tpu.memory_space<vmem>> -> memref<1664x16xf32, #tpu.memory_space<vmem>>
      %dma_start3A_213 = arith.constant 0 : i32
      %dma_start3A_214 = tpu.memref_slice %arg4[%mul3A_143, %dma_start3A_213] : memref<425984x16xf32, #tpu.memory_space<hbm>> -> memref<1664x16xf32, #tpu.memory_space<hbm>>
      %dma_start3A_215 = arith.constant 0 : i32
      %dma_start3A_216 = tpu.memref_slice %arg4[%mul3A_143, %dma_start3A_215] : memref<425984x16xf32, #tpu.memory_space<hbm>> -> memref<1664x16xf32, #tpu.memory_space<hbm>>
      %dma_start3A_217 = arith.constant 0 : i32
      %dma_start3A_218 = arith.constant 0 : i32
      %dma_start3A_219 = tpu.memref_slice %arg6[%run_scoped3A_144, %dma_start3A_217, %dma_start3A_218] : memref<2x1664x16xf32, #tpu.memory_space<vmem>> -> memref<1x1664x16xf32, #tpu.memory_space<vmem>>
      %dma_start3A_220 = tpu.memref_squeeze %dma_start3A_219 : memref<1x1664x16xf32, #tpu.memory_space<vmem>> -> memref<1664x16xf32, #tpu.memory_space<vmem>>
      tpu.enqueue_dma source(%dma_start3A_220 : memref<1664x16xf32, #tpu.memory_space<vmem>>) target(%dma_start3A_216 : memref<1664x16xf32, #tpu.memory_space<hbm>>) target_semaphore(%run_scoped3A_209 : memref<!tpu.dma_semaphore, #tpu.memory_space<semaphore_mem>>)
      %dma_wait3A = arith.constant 0 : i32
      %dma_wait3A_221 = arith.constant 0 : i32
      %dma_wait3A_222 = tpu.memref_slice %arg6[%run_scoped3A_144, %dma_wait3A, %dma_wait3A_221] : memref<2x1664x16xf32, #tpu.memory_space<vmem>> -> memref<1x1664x16xf32, #tpu.memory_space<vmem>>
      %dma_wait3A_223 = tpu.memref_squeeze %dma_wait3A_222 : memref<1x1664x16xf32, #tpu.memory_space<vmem>> -> memref<1664x16xf32, #tpu.memory_space<vmem>>
      %dma_wait3A_224 = arith.constant 0 : i32
      %dma_wait3A_225 = tpu.memref_slice %arg4[%mul3A_143, %dma_wait3A_224] : memref<425984x16xf32, #tpu.memory_space<hbm>> -> memref<1664x16xf32, #tpu.memory_space<hbm>>
      %dma_wait3A_226 = arith.constant 0 : i32
      %dma_wait3A_227 = tpu.memref_slice %arg4[%mul3A_143, %dma_wait3A_226] : memref<425984x16xf32, #tpu.memory_space<hbm>> -> memref<1664x16xf32, #tpu.memory_space<hbm>>
      %dma_wait3A_228 = arith.constant 0 : i32
      %dma_wait3A_229 = arith.constant 0 : i32
      %dma_wait3A_230 = tpu.memref_slice %arg6[%run_scoped3A_144, %dma_wait3A_228, %dma_wait3A_229] : memref<2x1664x16xf32, #tpu.memory_space<vmem>> -> memref<1x1664x16xf32, #tpu.memory_space<vmem>>
      %dma_wait3A_231 = tpu.memref_squeeze %dma_wait3A_230 : memref<1x1664x16xf32, #tpu.memory_space<vmem>> -> memref<1664x16xf32, #tpu.memory_space<vmem>>
      tpu.wait_dma2 semaphore(%run_scoped3A_209 : memref<!tpu.dma_semaphore, #tpu.memory_space<semaphore_mem>>) src(%dma_wait3A_231 : memref<1664x16xf32, #tpu.memory_space<vmem>>) dst(%dma_wait3A_227 : memref<1664x16xf32, #tpu.memory_space<hbm>>)
      tpu.yield
    }) : () -> ()
    %scan3A_145 = arith.constant 0 : i32
    %scan3A_146 = arith.constant 0 : i32
    %scan3A_147 = arith.constant 13 : i32
    %scan3A_148 = arith.addi %scan3A_146, %scan3A_147 : i32
    %scan3A_149 = arith.constant 1 : i32
    %scan3A_150 = scf.for %scan3A_209 = %scan3A_146 to %scan3A_148 step %scan3A_149 iter_args(%scan3A_210 = %scan3A_145) -> (i32)  : i32 {
      %add3A_211 = arith.constant 78 : i32
      %add3A_212 = arith.addi %add3A_211, %scan3A_209 : i32
      %scan3A_213 = arith.constant 0 : i32
      %scan3A_214 = arith.constant 0 : i32
      %scan3A_215 = arith.constant 8 : i32
      %scan3A_216 = arith.addi %scan3A_214, %scan3A_215 : i32
      %scan3A_217 = arith.constant 1 : i32
      %scan3A_218 = scf.for %scan3A_220 = %scan3A_214 to %scan3A_216 step %scan3A_217 iter_args(%scan3A_221 = %scan3A_213) -> (i32)  : i32 {
        %add3A_222 = arith.addi %mul3A_2, %add3A_212 : i32
        %mul3A_223 = arith.constant 128 : i32
        %mul3A_224 = arith.muli %add3A_222, %mul3A_223 : i32
        %mul3A_225 = arith.constant 16 : i32
        %mul3A_226 = arith.muli %scan3A_220, %mul3A_225 : i32
        %add3A_227 = arith.addi %mul3A_224, %mul3A_226 : i32
        %add3A_228 = vector.broadcast %add3A_227 : i32 to vector<16xi32>
        %add3A_229 = arith.addi %add3A_228, %iota3A : vector<16xi32>
        %rem3A = arith.constant 26 : i32
        %rem3A_230 = vector.broadcast %rem3A : i32 to vector<16xi32>
        %rem3A_231 = arith.remsi %add3A_229, %rem3A_230 : vector<16xi32>
        %mul3A_232 = arith.constant 16 : i32
        %mul3A_233 = arith.muli %scan3A_220, %mul3A_232 : i32
        %get3A = arith.index_cast %add3A_212 : i32 to index
        %get3A_234 = arith.index_cast %mul3A_233 : i32 to index
        %get3A_235 = tpu.vector_load %arg5[%get3A, %get3A_234] {strides = array<i32>} : memref<104x128xi32, #tpu.memory_space<vmem>>, vector<1x16xi32>,
        %get3A_236 = vector.shape_cast %get3A_235 : vector<1x16xi32> to vector<16xi32>
        %mul3A_237 = arith.constant 100000 : i32
        %mul3A_238 = vector.broadcast %mul3A_237 : i32 to vector<16xi32>
        %mul3A_239 = arith.muli %rem3A_231, %mul3A_238 : vector<16xi32>
        %add3A_240 = arith.addi %get3A_236, %mul3A_239 : vector<16xi32>
        %swap3A = arith.index_cast %add3A_212 : i32 to index
        %swap3A_241 = arith.index_cast %mul3A_233 : i32 to index
        %swap3A_242 = tpu.vector_load %arg5[%swap3A, %swap3A_241] {strides = array<i32>} : memref<104x128xi32, #tpu.memory_space<vmem>>, vector<1x16xi32>,
        %swap3A_243 = vector.shape_cast %swap3A_242 : vector<1x16xi32> to vector<16xi32>
        %swap3A_244 = vector.shape_cast %add3A_240 : vector<16xi32> to vector<1x16xi32>
        tpu.vector_store %arg5[%swap3A, %swap3A_241], %swap3A_244 {strides = array<i32>} : memref<104x128xi32, #tpu.memory_space<vmem>>, vector<1x16xi32>,
        %scan3A_245 = arith.constant 0 : i32
        scf.yield %scan3A_245 : i32
      }
      %scan3A_219 = arith.constant 8 : i32
      scf.yield %scan3A_218 : i32
    }
    %scan3A_151 = arith.constant 13 : i32
    %scan3A_152 = arith.constant 0 : i32
    %scan3A_153 = arith.constant 0 : i32
    %scan3A_154 = arith.constant 13 : i32
    %scan3A_155 = arith.addi %scan3A_153, %scan3A_154 : i32
    %scan3A_156 = arith.constant 1 : i32
    %scan3A_157 = scf.for %scan3A_209 = %scan3A_153 to %scan3A_155 step %scan3A_156 iter_args(%scan3A_210 = %scan3A_152) -> (i32)  : i32 {
      %add3A_211 = arith.constant 78 : i32
      %add3A_212 = arith.addi %add3A_211, %scan3A_209 : i32
      %mul3A_213 = arith.constant 128 : i32
      %mul3A_214 = arith.muli %scan3A_209, %mul3A_213 : i32
      %dma_start3A = arith.constant 0 : i32
      %dma_start3A_215 = arith.constant 0 : i32
      %dma_start3A_216 = tpu.memref_slice %arg6[%dma_start3A, %mul3A_214, %dma_start3A_215] : memref<2x1664x16xf32, #tpu.memory_space<vmem>> -> memref<1x128x16xf32, #tpu.memory_space<vmem>>
      %dma_start3A_217 = tpu.memref_squeeze %dma_start3A_216 : memref<1x128x16xf32, #tpu.memory_space<vmem>> -> memref<128x16xf32, #tpu.memory_space<vmem>>
      %dma_start3A_218 = arith.constant 0 : i32
      %dma_start3A_219 = tpu.memref_slice %arg5[%add3A_212, %dma_start3A_218] : memref<104x128xi32, #tpu.memory_space<vmem>> -> memref<1x128xi32, #tpu.memory_space<vmem>>
      %dma_start3A_220 = tpu.memref_squeeze %dma_start3A_219 : memref<1x128xi32, #tpu.memory_space<vmem>> -> memref<128xi32, #tpu.memory_space<vmem>>
      %dma_start3A_221 = arith.constant 0 : i32
      %dma_start3A_222 = arith.constant 0 : i32
      %dma_start3A_223 = tpu.memref_slice %arg3[%dma_start3A_221, %dma_start3A_222] : memref<2600000x16xf32, #tpu.memory_space<hbm>> -> memref<2600000x16xf32, #tpu.memory_space<hbm>>
      tpu.enqueue_indirect_dma source(%dma_start3A_223 : memref<2600000x16xf32, #tpu.memory_space<hbm>>) target(%dma_start3A_217 : memref<128x16xf32, #tpu.memory_space<vmem>>) offsets(%dma_start3A_220 : memref<128xi32, #tpu.memory_space<vmem>>) semaphore(%arg7 : memref<!tpu.dma_semaphore, #tpu.memory_space<semaphore_mem>>)
      %scan3A_224 = arith.constant 0 : i32
      scf.yield %scan3A_224 : i32
    }
    %scan3A_158 = arith.constant 13 : i32
    %scan3A_159 = arith.constant 0 : i32
    %scan3A_160 = arith.constant 0 : i32
    %scan3A_161 = arith.constant 13 : i32
    %scan3A_162 = arith.addi %scan3A_160, %scan3A_161 : i32
    %scan3A_163 = arith.constant 1 : i32
    %scan3A_164 = scf.for %scan3A_209 = %scan3A_160 to %scan3A_162 step %scan3A_163 iter_args(%scan3A_210 = %scan3A_159) -> (i32)  : i32 {
      %add3A_211 = arith.constant 65 : i32
      %add3A_212 = arith.addi %add3A_211, %scan3A_209 : i32
      %mul3A_213 = arith.constant 128 : i32
      %mul3A_214 = arith.muli %scan3A_209, %mul3A_213 : i32
      %dma_wait3A = arith.constant 1 : i32
      %dma_wait3A_215 = arith.constant 0 : i32
      %dma_wait3A_216 = tpu.memref_slice %arg6[%dma_wait3A, %mul3A_214, %dma_wait3A_215] : memref<2x1664x16xf32, #tpu.memory_space<vmem>> -> memref<1x128x16xf32, #tpu.memory_space<vmem>>
      %dma_wait3A_217 = tpu.memref_squeeze %dma_wait3A_216 : memref<1x128x16xf32, #tpu.memory_space<vmem>> -> memref<128x16xf32, #tpu.memory_space<vmem>>
      %dma_wait3A_218 = arith.constant 0 : i32
      %dma_wait3A_219 = tpu.memref_slice %arg5[%add3A_212, %dma_wait3A_218] : memref<104x128xi32, #tpu.memory_space<vmem>> -> memref<1x128xi32, #tpu.memory_space<vmem>>
      %dma_wait3A_220 = tpu.memref_squeeze %dma_wait3A_219 : memref<1x128xi32, #tpu.memory_space<vmem>> -> memref<128xi32, #tpu.memory_space<vmem>>
      %dma_wait3A_221 = arith.constant 0 : i32
      %dma_wait3A_222 = arith.constant 0 : i32
      %dma_wait3A_223 = tpu.memref_slice %arg3[%dma_wait3A_221, %dma_wait3A_222] : memref<2600000x16xf32, #tpu.memory_space<hbm>> -> memref<2600000x16xf32, #tpu.memory_space<hbm>>
      tpu.wait_indirect_dma semaphore(%arg8 : memref<!tpu.dma_semaphore, #tpu.memory_space<semaphore_mem>>) src(%dma_wait3A_223 : memref<2600000x16xf32, #tpu.memory_space<hbm>>) dst(%dma_wait3A_217 : memref<128x16xf32, #tpu.memory_space<vmem>>)
      %scan3A_224 = arith.constant 0 : i32
      scf.yield %scan3A_224 : i32
    }
    %scan3A_165 = arith.constant 13 : i32
    %add3A_166 = arith.constant 65 : i32
    %add3A_167 = arith.addi %mul3A_2, %add3A_166 : i32
    %mul3A_168 = arith.constant 128 : i32
    %mul3A_169 = arith.muli %add3A_167, %mul3A_168 : i32
    %run_scoped3A_170 = arith.constant 1 : i32
    "tpu.region"() ({
      %run_scoped3A_209 = tpu.sem_alloc : memref<!tpu.dma_semaphore, #tpu.memory_space<semaphore_mem>>
      %dma_start3A = arith.constant 0 : i32
      %dma_start3A_210 = arith.constant 0 : i32
      %dma_start3A_211 = tpu.memref_slice %arg6[%run_scoped3A_170, %dma_start3A, %dma_start3A_210] : memref<2x1664x16xf32, #tpu.memory_space<vmem>> -> memref<1x1664x16xf32, #tpu.memory_space<vmem>>
      %dma_start3A_212 = tpu.memref_squeeze %dma_start3A_211 : memref<1x1664x16xf32, #tpu.memory_space<vmem>> -> memref<1664x16xf32, #tpu.memory_space<vmem>>
      %dma_start3A_213 = arith.constant 0 : i32
      %dma_start3A_214 = tpu.memref_slice %arg4[%mul3A_169, %dma_start3A_213] : memref<425984x16xf32, #tpu.memory_space<hbm>> -> memref<1664x16xf32, #tpu.memory_space<hbm>>
      %dma_start3A_215 = arith.constant 0 : i32
      %dma_start3A_216 = tpu.memref_slice %arg4[%mul3A_169, %dma_start3A_215] : memref<425984x16xf32, #tpu.memory_space<hbm>> -> memref<1664x16xf32, #tpu.memory_space<hbm>>
      %dma_start3A_217 = arith.constant 0 : i32
      %dma_start3A_218 = arith.constant 0 : i32
      %dma_start3A_219 = tpu.memref_slice %arg6[%run_scoped3A_170, %dma_start3A_217, %dma_start3A_218] : memref<2x1664x16xf32, #tpu.memory_space<vmem>> -> memref<1x1664x16xf32, #tpu.memory_space<vmem>>
      %dma_start3A_220 = tpu.memref_squeeze %dma_start3A_219 : memref<1x1664x16xf32, #tpu.memory_space<vmem>> -> memref<1664x16xf32, #tpu.memory_space<vmem>>
      tpu.enqueue_dma source(%dma_start3A_220 : memref<1664x16xf32, #tpu.memory_space<vmem>>) target(%dma_start3A_216 : memref<1664x16xf32, #tpu.memory_space<hbm>>) target_semaphore(%run_scoped3A_209 : memref<!tpu.dma_semaphore, #tpu.memory_space<semaphore_mem>>)
      %dma_wait3A = arith.constant 0 : i32
      %dma_wait3A_221 = arith.constant 0 : i32
      %dma_wait3A_222 = tpu.memref_slice %arg6[%run_scoped3A_170, %dma_wait3A, %dma_wait3A_221] : memref<2x1664x16xf32, #tpu.memory_space<vmem>> -> memref<1x1664x16xf32, #tpu.memory_space<vmem>>
      %dma_wait3A_223 = tpu.memref_squeeze %dma_wait3A_222 : memref<1x1664x16xf32, #tpu.memory_space<vmem>> -> memref<1664x16xf32, #tpu.memory_space<vmem>>
      %dma_wait3A_224 = arith.constant 0 : i32
      %dma_wait3A_225 = tpu.memref_slice %arg4[%mul3A_169, %dma_wait3A_224] : memref<425984x16xf32, #tpu.memory_space<hbm>> -> memref<1664x16xf32, #tpu.memory_space<hbm>>
      %dma_wait3A_226 = arith.constant 0 : i32
      %dma_wait3A_227 = tpu.memref_slice %arg4[%mul3A_169, %dma_wait3A_226] : memref<425984x16xf32, #tpu.memory_space<hbm>> -> memref<1664x16xf32, #tpu.memory_space<hbm>>
      %dma_wait3A_228 = arith.constant 0 : i32
      %dma_wait3A_229 = arith.constant 0 : i32
      %dma_wait3A_230 = tpu.memref_slice %arg6[%run_scoped3A_170, %dma_wait3A_228, %dma_wait3A_229] : memref<2x1664x16xf32, #tpu.memory_space<vmem>> -> memref<1x1664x16xf32, #tpu.memory_space<vmem>>
      %dma_wait3A_231 = tpu.memref_squeeze %dma_wait3A_230 : memref<1x1664x16xf32, #tpu.memory_space<vmem>> -> memref<1664x16xf32, #tpu.memory_space<vmem>>
      tpu.wait_dma2 semaphore(%run_scoped3A_209 : memref<!tpu.dma_semaphore, #tpu.memory_space<semaphore_mem>>) src(%dma_wait3A_231 : memref<1664x16xf32, #tpu.memory_space<vmem>>) dst(%dma_wait3A_227 : memref<1664x16xf32, #tpu.memory_space<hbm>>)
      tpu.yield
    }) : () -> ()
    %scan3A_171 = arith.constant 0 : i32
    %scan3A_172 = arith.constant 0 : i32
    %scan3A_173 = arith.constant 13 : i32
    %scan3A_174 = arith.addi %scan3A_172, %scan3A_173 : i32
    %scan3A_175 = arith.constant 1 : i32
    %scan3A_176 = scf.for %scan3A_209 = %scan3A_172 to %scan3A_174 step %scan3A_175 iter_args(%scan3A_210 = %scan3A_171) -> (i32)  : i32 {
      %add3A_211 = arith.constant 91 : i32
      %add3A_212 = arith.addi %add3A_211, %scan3A_209 : i32
      %scan3A_213 = arith.constant 0 : i32
      %scan3A_214 = arith.constant 0 : i32
      %scan3A_215 = arith.constant 8 : i32
      %scan3A_216 = arith.addi %scan3A_214, %scan3A_215 : i32
      %scan3A_217 = arith.constant 1 : i32
      %scan3A_218 = scf.for %scan3A_220 = %scan3A_214 to %scan3A_216 step %scan3A_217 iter_args(%scan3A_221 = %scan3A_213) -> (i32)  : i32 {
        %add3A_222 = arith.addi %mul3A_2, %add3A_212 : i32
        %mul3A_223 = arith.constant 128 : i32
        %mul3A_224 = arith.muli %add3A_222, %mul3A_223 : i32
        %mul3A_225 = arith.constant 16 : i32
        %mul3A_226 = arith.muli %scan3A_220, %mul3A_225 : i32
        %add3A_227 = arith.addi %mul3A_224, %mul3A_226 : i32
        %add3A_228 = vector.broadcast %add3A_227 : i32 to vector<16xi32>
        %add3A_229 = arith.addi %add3A_228, %iota3A : vector<16xi32>
        %rem3A = arith.constant 26 : i32
        %rem3A_230 = vector.broadcast %rem3A : i32 to vector<16xi32>
        %rem3A_231 = arith.remsi %add3A_229, %rem3A_230 : vector<16xi32>
        %mul3A_232 = arith.constant 16 : i32
        %mul3A_233 = arith.muli %scan3A_220, %mul3A_232 : i32
        %get3A = arith.index_cast %add3A_212 : i32 to index
        %get3A_234 = arith.index_cast %mul3A_233 : i32 to index
        %get3A_235 = tpu.vector_load %arg5[%get3A, %get3A_234] {strides = array<i32>} : memref<104x128xi32, #tpu.memory_space<vmem>>, vector<1x16xi32>,
        %get3A_236 = vector.shape_cast %get3A_235 : vector<1x16xi32> to vector<16xi32>
        %mul3A_237 = arith.constant 100000 : i32
        %mul3A_238 = vector.broadcast %mul3A_237 : i32 to vector<16xi32>
        %mul3A_239 = arith.muli %rem3A_231, %mul3A_238 : vector<16xi32>
        %add3A_240 = arith.addi %get3A_236, %mul3A_239 : vector<16xi32>
        %swap3A = arith.index_cast %add3A_212 : i32 to index
        %swap3A_241 = arith.index_cast %mul3A_233 : i32 to index
        %swap3A_242 = tpu.vector_load %arg5[%swap3A, %swap3A_241] {strides = array<i32>} : memref<104x128xi32, #tpu.memory_space<vmem>>, vector<1x16xi32>,
        %swap3A_243 = vector.shape_cast %swap3A_242 : vector<1x16xi32> to vector<16xi32>
        %swap3A_244 = vector.shape_cast %add3A_240 : vector<16xi32> to vector<1x16xi32>
        tpu.vector_store %arg5[%swap3A, %swap3A_241], %swap3A_244 {strides = array<i32>} : memref<104x128xi32, #tpu.memory_space<vmem>>, vector<1x16xi32>,
        %scan3A_245 = arith.constant 0 : i32
        scf.yield %scan3A_245 : i32
      }
      %scan3A_219 = arith.constant 8 : i32
      scf.yield %scan3A_218 : i32
    }
    %scan3A_177 = arith.constant 13 : i32
    %scan3A_178 = arith.constant 0 : i32
    %scan3A_179 = arith.constant 0 : i32
    %scan3A_180 = arith.constant 13 : i32
    %scan3A_181 = arith.addi %scan3A_179, %scan3A_180 : i32
    %scan3A_182 = arith.constant 1 : i32
    %scan3A_183 = scf.for %scan3A_209 = %scan3A_179 to %scan3A_181 step %scan3A_182 iter_args(%scan3A_210 = %scan3A_178) -> (i32)  : i32 {
      %add3A_211 = arith.constant 91 : i32
      %add3A_212 = arith.addi %add3A_211, %scan3A_209 : i32
      %mul3A_213 = arith.constant 128 : i32
      %mul3A_214 = arith.muli %scan3A_209, %mul3A_213 : i32
      %dma_start3A = arith.constant 1 : i32
      %dma_start3A_215 = arith.constant 0 : i32
      %dma_start3A_216 = tpu.memref_slice %arg6[%dma_start3A, %mul3A_214, %dma_start3A_215] : memref<2x1664x16xf32, #tpu.memory_space<vmem>> -> memref<1x128x16xf32, #tpu.memory_space<vmem>>
      %dma_start3A_217 = tpu.memref_squeeze %dma_start3A_216 : memref<1x128x16xf32, #tpu.memory_space<vmem>> -> memref<128x16xf32, #tpu.memory_space<vmem>>
      %dma_start3A_218 = arith.constant 0 : i32
      %dma_start3A_219 = tpu.memref_slice %arg5[%add3A_212, %dma_start3A_218] : memref<104x128xi32, #tpu.memory_space<vmem>> -> memref<1x128xi32, #tpu.memory_space<vmem>>
      %dma_start3A_220 = tpu.memref_squeeze %dma_start3A_219 : memref<1x128xi32, #tpu.memory_space<vmem>> -> memref<128xi32, #tpu.memory_space<vmem>>
      %dma_start3A_221 = arith.constant 0 : i32
      %dma_start3A_222 = arith.constant 0 : i32
      %dma_start3A_223 = tpu.memref_slice %arg3[%dma_start3A_221, %dma_start3A_222] : memref<2600000x16xf32, #tpu.memory_space<hbm>> -> memref<2600000x16xf32, #tpu.memory_space<hbm>>
      tpu.enqueue_indirect_dma source(%dma_start3A_223 : memref<2600000x16xf32, #tpu.memory_space<hbm>>) target(%dma_start3A_217 : memref<128x16xf32, #tpu.memory_space<vmem>>) offsets(%dma_start3A_220 : memref<128xi32, #tpu.memory_space<vmem>>) semaphore(%arg8 : memref<!tpu.dma_semaphore, #tpu.memory_space<semaphore_mem>>)
      %scan3A_224 = arith.constant 0 : i32
      scf.yield %scan3A_224 : i32
    }
    %scan3A_184 = arith.constant 13 : i32
    %scan3A_185 = arith.constant 0 : i32
    %scan3A_186 = arith.constant 0 : i32
    %scan3A_187 = arith.constant 13 : i32
    %scan3A_188 = arith.addi %scan3A_186, %scan3A_187 : i32
    %scan3A_189 = arith.constant 1 : i32
    %scan3A_190 = scf.for %scan3A_209 = %scan3A_186 to %scan3A_188 step %scan3A_189 iter_args(%scan3A_210 = %scan3A_185) -> (i32)  : i32 {
      %add3A_211 = arith.constant 78 : i32
      %add3A_212 = arith.addi %add3A_211, %scan3A_209 : i32
      %mul3A_213 = arith.constant 128 : i32
      %mul3A_214 = arith.muli %scan3A_209, %mul3A_213 : i32
      %dma_wait3A = arith.constant 0 : i32
      %dma_wait3A_215 = arith.constant 0 : i32
      %dma_wait3A_216 = tpu.memref_slice %arg6[%dma_wait3A, %mul3A_214, %dma_wait3A_215] : memref<2x1664x16xf32, #tpu.memory_space<vmem>> -> memref<1x128x16xf32, #tpu.memory_space<vmem>>
      %dma_wait3A_217 = tpu.memref_squeeze %dma_wait3A_216 : memref<1x128x16xf32, #tpu.memory_space<vmem>> -> memref<128x16xf32, #tpu.memory_space<vmem>>
      %dma_wait3A_218 = arith.constant 0 : i32
      %dma_wait3A_219 = tpu.memref_slice %arg5[%add3A_212, %dma_wait3A_218] : memref<104x128xi32, #tpu.memory_space<vmem>> -> memref<1x128xi32, #tpu.memory_space<vmem>>
      %dma_wait3A_220 = tpu.memref_squeeze %dma_wait3A_219 : memref<1x128xi32, #tpu.memory_space<vmem>> -> memref<128xi32, #tpu.memory_space<vmem>>
      %dma_wait3A_221 = arith.constant 0 : i32
      %dma_wait3A_222 = arith.constant 0 : i32
      %dma_wait3A_223 = tpu.memref_slice %arg3[%dma_wait3A_221, %dma_wait3A_222] : memref<2600000x16xf32, #tpu.memory_space<hbm>> -> memref<2600000x16xf32, #tpu.memory_space<hbm>>
      tpu.wait_indirect_dma semaphore(%arg7 : memref<!tpu.dma_semaphore, #tpu.memory_space<semaphore_mem>>) src(%dma_wait3A_223 : memref<2600000x16xf32, #tpu.memory_space<hbm>>) dst(%dma_wait3A_217 : memref<128x16xf32, #tpu.memory_space<vmem>>)
      %scan3A_224 = arith.constant 0 : i32
      scf.yield %scan3A_224 : i32
    }
    %scan3A_191 = arith.constant 13 : i32
    %add3A_192 = arith.constant 78 : i32
    %add3A_193 = arith.addi %mul3A_2, %add3A_192 : i32
    %mul3A_194 = arith.constant 128 : i32
    %mul3A_195 = arith.muli %add3A_193, %mul3A_194 : i32
    %run_scoped3A_196 = arith.constant 0 : i32
    "tpu.region"() ({
      %run_scoped3A_209 = tpu.sem_alloc : memref<!tpu.dma_semaphore, #tpu.memory_space<semaphore_mem>>
      %dma_start3A = arith.constant 0 : i32
      %dma_start3A_210 = arith.constant 0 : i32
      %dma_start3A_211 = tpu.memref_slice %arg6[%run_scoped3A_196, %dma_start3A, %dma_start3A_210] : memref<2x1664x16xf32, #tpu.memory_space<vmem>> -> memref<1x1664x16xf32, #tpu.memory_space<vmem>>
      %dma_start3A_212 = tpu.memref_squeeze %dma_start3A_211 : memref<1x1664x16xf32, #tpu.memory_space<vmem>> -> memref<1664x16xf32, #tpu.memory_space<vmem>>
      %dma_start3A_213 = arith.constant 0 : i32
      %dma_start3A_214 = tpu.memref_slice %arg4[%mul3A_195, %dma_start3A_213] : memref<425984x16xf32, #tpu.memory_space<hbm>> -> memref<1664x16xf32, #tpu.memory_space<hbm>>
      %dma_start3A_215 = arith.constant 0 : i32
      %dma_start3A_216 = tpu.memref_slice %arg4[%mul3A_195, %dma_start3A_215] : memref<425984x16xf32, #tpu.memory_space<hbm>> -> memref<1664x16xf32, #tpu.memory_space<hbm>>
      %dma_start3A_217 = arith.constant 0 : i32
      %dma_start3A_218 = arith.constant 0 : i32
      %dma_start3A_219 = tpu.memref_slice %arg6[%run_scoped3A_196, %dma_start3A_217, %dma_start3A_218] : memref<2x1664x16xf32, #tpu.memory_space<vmem>> -> memref<1x1664x16xf32, #tpu.memory_space<vmem>>
      %dma_start3A_220 = tpu.memref_squeeze %dma_start3A_219 : memref<1x1664x16xf32, #tpu.memory_space<vmem>> -> memref<1664x16xf32, #tpu.memory_space<vmem>>
      tpu.enqueue_dma source(%dma_start3A_220 : memref<1664x16xf32, #tpu.memory_space<vmem>>) target(%dma_start3A_216 : memref<1664x16xf32, #tpu.memory_space<hbm>>) target_semaphore(%run_scoped3A_209 : memref<!tpu.dma_semaphore, #tpu.memory_space<semaphore_mem>>)
      %dma_wait3A = arith.constant 0 : i32
      %dma_wait3A_221 = arith.constant 0 : i32
      %dma_wait3A_222 = tpu.memref_slice %arg6[%run_scoped3A_196, %dma_wait3A, %dma_wait3A_221] : memref<2x1664x16xf32, #tpu.memory_space<vmem>> -> memref<1x1664x16xf32, #tpu.memory_space<vmem>>
      %dma_wait3A_223 = tpu.memref_squeeze %dma_wait3A_222 : memref<1x1664x16xf32, #tpu.memory_space<vmem>> -> memref<1664x16xf32, #tpu.memory_space<vmem>>
      %dma_wait3A_224 = arith.constant 0 : i32
      %dma_wait3A_225 = tpu.memref_slice %arg4[%mul3A_195, %dma_wait3A_224] : memref<425984x16xf32, #tpu.memory_space<hbm>> -> memref<1664x16xf32, #tpu.memory_space<hbm>>
      %dma_wait3A_226 = arith.constant 0 : i32
      %dma_wait3A_227 = tpu.memref_slice %arg4[%mul3A_195, %dma_wait3A_226] : memref<425984x16xf32, #tpu.memory_space<hbm>> -> memref<1664x16xf32, #tpu.memory_space<hbm>>
      %dma_wait3A_228 = arith.constant 0 : i32
      %dma_wait3A_229 = arith.constant 0 : i32
      %dma_wait3A_230 = tpu.memref_slice %arg6[%run_scoped3A_196, %dma_wait3A_228, %dma_wait3A_229] : memref<2x1664x16xf32, #tpu.memory_space<vmem>> -> memref<1x1664x16xf32, #tpu.memory_space<vmem>>
      %dma_wait3A_231 = tpu.memref_squeeze %dma_wait3A_230 : memref<1x1664x16xf32, #tpu.memory_space<vmem>> -> memref<1664x16xf32, #tpu.memory_space<vmem>>
      tpu.wait_dma2 semaphore(%run_scoped3A_209 : memref<!tpu.dma_semaphore, #tpu.memory_space<semaphore_mem>>) src(%dma_wait3A_231 : memref<1664x16xf32, #tpu.memory_space<vmem>>) dst(%dma_wait3A_227 : memref<1664x16xf32, #tpu.memory_space<hbm>>)
      tpu.yield
    }) : () -> ()
    %scan3A_197 = arith.constant 0 : i32
    %scan3A_198 = arith.constant 0 : i32
    %scan3A_199 = arith.constant 13 : i32
    %scan3A_200 = arith.addi %scan3A_198, %scan3A_199 : i32
    %scan3A_201 = arith.constant 1 : i32
    %scan3A_202 = scf.for %scan3A_209 = %scan3A_198 to %scan3A_200 step %scan3A_201 iter_args(%scan3A_210 = %scan3A_197) -> (i32)  : i32 {
      %add3A_211 = arith.constant 91 : i32
      %add3A_212 = arith.addi %add3A_211, %scan3A_209 : i32
      %mul3A_213 = arith.constant 128 : i32
      %mul3A_214 = arith.muli %scan3A_209, %mul3A_213 : i32
      %dma_wait3A = arith.constant 1 : i32
      %dma_wait3A_215 = arith.constant 0 : i32
      %dma_wait3A_216 = tpu.memref_slice %arg6[%dma_wait3A, %mul3A_214, %dma_wait3A_215] : memref<2x1664x16xf32, #tpu.memory_space<vmem>> -> memref<1x128x16xf32, #tpu.memory_space<vmem>>
      %dma_wait3A_217 = tpu.memref_squeeze %dma_wait3A_216 : memref<1x128x16xf32, #tpu.memory_space<vmem>> -> memref<128x16xf32, #tpu.memory_space<vmem>>
      %dma_wait3A_218 = arith.constant 0 : i32
      %dma_wait3A_219 = tpu.memref_slice %arg5[%add3A_212, %dma_wait3A_218] : memref<104x128xi32, #tpu.memory_space<vmem>> -> memref<1x128xi32, #tpu.memory_space<vmem>>
      %dma_wait3A_220 = tpu.memref_squeeze %dma_wait3A_219 : memref<1x128xi32, #tpu.memory_space<vmem>> -> memref<128xi32, #tpu.memory_space<vmem>>
      %dma_wait3A_221 = arith.constant 0 : i32
      %dma_wait3A_222 = arith.constant 0 : i32
      %dma_wait3A_223 = tpu.memref_slice %arg3[%dma_wait3A_221, %dma_wait3A_222] : memref<2600000x16xf32, #tpu.memory_space<hbm>> -> memref<2600000x16xf32, #tpu.memory_space<hbm>>
      tpu.wait_indirect_dma semaphore(%arg8 : memref<!tpu.dma_semaphore, #tpu.memory_space<semaphore_mem>>) src(%dma_wait3A_223 : memref<2600000x16xf32, #tpu.memory_space<hbm>>) dst(%dma_wait3A_217 : memref<128x16xf32, #tpu.memory_space<vmem>>)
      %scan3A_224 = arith.constant 0 : i32
      scf.yield %scan3A_224 : i32
    }
    %scan3A_203 = arith.constant 13 : i32
    %add3A_204 = arith.constant 91 : i32
    %add3A_205 = arith.addi %mul3A_2, %add3A_204 : i32
    %mul3A_206 = arith.constant 128 : i32
    %mul3A_207 = arith.muli %add3A_205, %mul3A_206 : i32
    %run_scoped3A_208 = arith.constant 1 : i32
    "tpu.region"() ({
      %run_scoped3A_209 = tpu.sem_alloc : memref<!tpu.dma_semaphore, #tpu.memory_space<semaphore_mem>>
      %dma_start3A = arith.constant 0 : i32
      %dma_start3A_210 = arith.constant 0 : i32
      %dma_start3A_211 = tpu.memref_slice %arg6[%run_scoped3A_208, %dma_start3A, %dma_start3A_210] : memref<2x1664x16xf32, #tpu.memory_space<vmem>> -> memref<1x1664x16xf32, #tpu.memory_space<vmem>>
      %dma_start3A_212 = tpu.memref_squeeze %dma_start3A_211 : memref<1x1664x16xf32, #tpu.memory_space<vmem>> -> memref<1664x16xf32, #tpu.memory_space<vmem>>
      %dma_start3A_213 = arith.constant 0 : i32
      %dma_start3A_214 = tpu.memref_slice %arg4[%mul3A_207, %dma_start3A_213] : memref<425984x16xf32, #tpu.memory_space<hbm>> -> memref<1664x16xf32, #tpu.memory_space<hbm>>
      %dma_start3A_215 = arith.constant 0 : i32
      %dma_start3A_216 = tpu.memref_slice %arg4[%mul3A_207, %dma_start3A_215] : memref<425984x16xf32, #tpu.memory_space<hbm>> -> memref<1664x16xf32, #tpu.memory_space<hbm>>
      %dma_start3A_217 = arith.constant 0 : i32
      %dma_start3A_218 = arith.constant 0 : i32
      %dma_start3A_219 = tpu.memref_slice %arg6[%run_scoped3A_208, %dma_start3A_217, %dma_start3A_218] : memref<2x1664x16xf32, #tpu.memory_space<vmem>> -> memref<1x1664x16xf32, #tpu.memory_space<vmem>>
      %dma_start3A_220 = tpu.memref_squeeze %dma_start3A_219 : memref<1x1664x16xf32, #tpu.memory_space<vmem>> -> memref<1664x16xf32, #tpu.memory_space<vmem>>
      tpu.enqueue_dma source(%dma_start3A_220 : memref<1664x16xf32, #tpu.memory_space<vmem>>) target(%dma_start3A_216 : memref<1664x16xf32, #tpu.memory_space<hbm>>) target_semaphore(%run_scoped3A_209 : memref<!tpu.dma_semaphore, #tpu.memory_space<semaphore_mem>>)
      %dma_wait3A = arith.constant 0 : i32
      %dma_wait3A_221 = arith.constant 0 : i32
      %dma_wait3A_222 = tpu.memref_slice %arg6[%run_scoped3A_208, %dma_wait3A, %dma_wait3A_221] : memref<2x1664x16xf32, #tpu.memory_space<vmem>> -> memref<1x1664x16xf32, #tpu.memory_space<vmem>>
      %dma_wait3A_223 = tpu.memref_squeeze %dma_wait3A_222 : memref<1x1664x16xf32, #tpu.memory_space<vmem>> -> memref<1664x16xf32, #tpu.memory_space<vmem>>
      %dma_wait3A_224 = arith.constant 0 : i32
      %dma_wait3A_225 = tpu.memref_slice %arg4[%mul3A_207, %dma_wait3A_224] : memref<425984x16xf32, #tpu.memory_space<hbm>> -> memref<1664x16xf32, #tpu.memory_space<hbm>>
      %dma_wait3A_226 = arith.constant 0 : i32
      %dma_wait3A_227 = tpu.memref_slice %arg4[%mul3A_207, %dma_wait3A_226] : memref<425984x16xf32, #tpu.memory_space<hbm>> -> memref<1664x16xf32, #tpu.memory_space<hbm>>
      %dma_wait3A_228 = arith.constant 0 : i32
      %dma_wait3A_229 = arith.constant 0 : i32
      %dma_wait3A_230 = tpu.memref_slice %arg6[%run_scoped3A_208, %dma_wait3A_228, %dma_wait3A_229] : memref<2x1664x16xf32, #tpu.memory_space<vmem>> -> memref<1x1664x16xf32, #tpu.memory_space<vmem>>
      %dma_wait3A_231 = tpu.memref_squeeze %dma_wait3A_230 : memref<1x1664x16xf32, #tpu.memory_space<vmem>> -> memref<1664x16xf32, #tpu.memory_space<vmem>>
      tpu.wait_dma2 semaphore(%run_scoped3A_209 : memref<!tpu.dma_semaphore, #tpu.memory_space<semaphore_mem>>) src(%dma_wait3A_231 : memref<1664x16xf32, #tpu.memory_space<vmem>>) dst(%dma_wait3A_227 : memref<1664x16xf32, #tpu.memory_space<hbm>>)
      tpu.yield
    }) : () -> ()
    return
  }
}

module attributes {stable_mosaic.version = 14 : i64} {
  func.func @body(%arg0: i32, %arg1: memref<2600x8x16xf32, #tpu.memory_space<vmem>>, %arg2: memref<2600x128xf32, #tpu.memory_space<vmem>>) attributes {dimension_semantics = [#tpu.dimension_semantics<arbitrary>], iteration_bounds = array<i64: 125>, scalar_prefetch = 0 : i64, scratch_operands = 0 : i64, tpu.core_type = #tpu.core_type<tc>, window_params = [{transform_indices = @transform_0, window_bounds = array<i64: 2600, 8, 16>}, {transform_indices = @transform_1, window_bounds = array<i64: 2600, 128>}]} {
    %get3A = arith.constant 0 : index
    %get3A_0 = arith.constant 0 : index
    %get3A_1 = arith.constant 0 : index
    %get3A_2 = vector.load %arg1[%get3A, %get3A_0, %get3A_1] : memref<2600x8x16xf32, #tpu.memory_space<vmem>>, vector<2600x1x16xf32>
    %get3A_3 = vector.shape_cast %get3A_2 : vector<2600x1x16xf32> to vector<2600x16xf32>
    %swap3A = arith.constant 0 : index
    %swap3A_4 = arith.constant 0 : index
    %swap3A_5 = vector.load %arg2[%swap3A, %swap3A_4] : memref<2600x128xf32, #tpu.memory_space<vmem>>, vector<2600x16xf32>
    tpu.vector_store %arg2[%swap3A, %swap3A_4], %get3A_3 {strides = array<i32>} : memref<2600x128xf32, #tpu.memory_space<vmem>>, vector<2600x16xf32>,
    %get3A_6 = arith.constant 0 : index
    %get3A_7 = arith.constant 1 : index
    %get3A_8 = arith.constant 0 : index
    %get3A_9 = vector.load %arg1[%get3A_6, %get3A_7, %get3A_8] : memref<2600x8x16xf32, #tpu.memory_space<vmem>>, vector<2600x1x16xf32>
    %get3A_10 = vector.shape_cast %get3A_9 : vector<2600x1x16xf32> to vector<2600x16xf32>
    %swap3A_11 = arith.constant 0 : index
    %swap3A_12 = arith.constant 16 : index
    %swap3A_13 = vector.load %arg2[%swap3A_11, %swap3A_12] : memref<2600x128xf32, #tpu.memory_space<vmem>>, vector<2600x16xf32>
    tpu.vector_store %arg2[%swap3A_11, %swap3A_12], %get3A_10 {strides = array<i32>} : memref<2600x128xf32, #tpu.memory_space<vmem>>, vector<2600x16xf32>,
    %get3A_14 = arith.constant 0 : index
    %get3A_15 = arith.constant 2 : index
    %get3A_16 = arith.constant 0 : index
    %get3A_17 = vector.load %arg1[%get3A_14, %get3A_15, %get3A_16] : memref<2600x8x16xf32, #tpu.memory_space<vmem>>, vector<2600x1x16xf32>
    %get3A_18 = vector.shape_cast %get3A_17 : vector<2600x1x16xf32> to vector<2600x16xf32>
    %swap3A_19 = arith.constant 0 : index
    %swap3A_20 = arith.constant 32 : index
    %swap3A_21 = vector.load %arg2[%swap3A_19, %swap3A_20] : memref<2600x128xf32, #tpu.memory_space<vmem>>, vector<2600x16xf32>
    tpu.vector_store %arg2[%swap3A_19, %swap3A_20], %get3A_18 {strides = array<i32>} : memref<2600x128xf32, #tpu.memory_space<vmem>>, vector<2600x16xf32>,
    %get3A_22 = arith.constant 0 : index
    %get3A_23 = arith.constant 3 : index
    %get3A_24 = arith.constant 0 : index
    %get3A_25 = vector.load %arg1[%get3A_22, %get3A_23, %get3A_24] : memref<2600x8x16xf32, #tpu.memory_space<vmem>>, vector<2600x1x16xf32>
    %get3A_26 = vector.shape_cast %get3A_25 : vector<2600x1x16xf32> to vector<2600x16xf32>
    %swap3A_27 = arith.constant 0 : index
    %swap3A_28 = arith.constant 48 : index
    %swap3A_29 = vector.load %arg2[%swap3A_27, %swap3A_28] : memref<2600x128xf32, #tpu.memory_space<vmem>>, vector<2600x16xf32>
    tpu.vector_store %arg2[%swap3A_27, %swap3A_28], %get3A_26 {strides = array<i32>} : memref<2600x128xf32, #tpu.memory_space<vmem>>, vector<2600x16xf32>,
    %get3A_30 = arith.constant 0 : index
    %get3A_31 = arith.constant 4 : index
    %get3A_32 = arith.constant 0 : index
    %get3A_33 = vector.load %arg1[%get3A_30, %get3A_31, %get3A_32] : memref<2600x8x16xf32, #tpu.memory_space<vmem>>, vector<2600x1x16xf32>
    %get3A_34 = vector.shape_cast %get3A_33 : vector<2600x1x16xf32> to vector<2600x16xf32>
    %swap3A_35 = arith.constant 0 : index
    %swap3A_36 = arith.constant 64 : index
    %swap3A_37 = vector.load %arg2[%swap3A_35, %swap3A_36] : memref<2600x128xf32, #tpu.memory_space<vmem>>, vector<2600x16xf32>
    tpu.vector_store %arg2[%swap3A_35, %swap3A_36], %get3A_34 {strides = array<i32>} : memref<2600x128xf32, #tpu.memory_space<vmem>>, vector<2600x16xf32>,
    %get3A_38 = arith.constant 0 : index
    %get3A_39 = arith.constant 5 : index
    %get3A_40 = arith.constant 0 : index
    %get3A_41 = vector.load %arg1[%get3A_38, %get3A_39, %get3A_40] : memref<2600x8x16xf32, #tpu.memory_space<vmem>>, vector<2600x1x16xf32>
    %get3A_42 = vector.shape_cast %get3A_41 : vector<2600x1x16xf32> to vector<2600x16xf32>
    %swap3A_43 = arith.constant 0 : index
    %swap3A_44 = arith.constant 80 : index
    %swap3A_45 = vector.load %arg2[%swap3A_43, %swap3A_44] : memref<2600x128xf32, #tpu.memory_space<vmem>>, vector<2600x16xf32>
    tpu.vector_store %arg2[%swap3A_43, %swap3A_44], %get3A_42 {strides = array<i32>} : memref<2600x128xf32, #tpu.memory_space<vmem>>, vector<2600x16xf32>,
    %get3A_46 = arith.constant 0 : index
    %get3A_47 = arith.constant 6 : index
    %get3A_48 = arith.constant 0 : index
    %get3A_49 = vector.load %arg1[%get3A_46, %get3A_47, %get3A_48] : memref<2600x8x16xf32, #tpu.memory_space<vmem>>, vector<2600x1x16xf32>
    %get3A_50 = vector.shape_cast %get3A_49 : vector<2600x1x16xf32> to vector<2600x16xf32>
    %swap3A_51 = arith.constant 0 : index
    %swap3A_52 = arith.constant 96 : index
    %swap3A_53 = vector.load %arg2[%swap3A_51, %swap3A_52] : memref<2600x128xf32, #tpu.memory_space<vmem>>, vector<2600x16xf32>
    tpu.vector_store %arg2[%swap3A_51, %swap3A_52], %get3A_50 {strides = array<i32>} : memref<2600x128xf32, #tpu.memory_space<vmem>>, vector<2600x16xf32>,
    %get3A_54 = arith.constant 0 : index
    %get3A_55 = arith.constant 7 : index
    %get3A_56 = arith.constant 0 : index
    %get3A_57 = vector.load %arg1[%get3A_54, %get3A_55, %get3A_56] : memref<2600x8x16xf32, #tpu.memory_space<vmem>>, vector<2600x1x16xf32>
    %get3A_58 = vector.shape_cast %get3A_57 : vector<2600x1x16xf32> to vector<2600x16xf32>
    %swap3A_59 = arith.constant 0 : index
    %swap3A_60 = arith.constant 112 : index
    %swap3A_61 = vector.load %arg2[%swap3A_59, %swap3A_60] : memref<2600x128xf32, #tpu.memory_space<vmem>>, vector<2600x16xf32>
    tpu.vector_store %arg2[%swap3A_59, %swap3A_60], %get3A_58 {strides = array<i32>} : memref<2600x128xf32, #tpu.memory_space<vmem>>, vector<2600x16xf32>,
    return
  }
  func.func @transform_0(%arg0: i32) -> (i32, i32, i32) {
    %c0_i32 = arith.constant 0 : i32
    %c0_i32_0 = arith.constant 0 : i32
    %c0_i32_1 = arith.constant 0 : i32
    return %arg0, %c0_i32, %c0_i32_0 : i32, i32, i32
  }
  func.func @transform_1(%arg0: i32) -> (i32, i32) {
    %c0_i32 = arith.constant 0 : i32
    %c0_i32_0 = arith.constant 0 : i32
    return %arg0, %c0_i32 : i32, i32
  }
}

module attributes {stable_mosaic.version = 14 : i64} {
  func.func @body(%arg0: i32, %arg1: memref<4096x13xf32, #tpu.memory_space<vmem>>, %arg2: memref<4096x416xf32, #tpu.memory_space<vmem>>, %arg3: memref<13x128xf32, #tpu.memory_space<vmem>>, %arg4: memref<416x128xf32, #tpu.memory_space<vmem>>, %arg5: memref<1x128xf32, #tpu.memory_space<vmem>>, %arg6: memref<128x64xf32, #tpu.memory_space<vmem>>, %arg7: memref<1x64xf32, #tpu.memory_space<vmem>>, %arg8: memref<64x1xf32, #tpu.memory_space<vmem>>, %arg9: memref<1x1xf32, #tpu.memory_space<vmem>>, %arg10: memref<4096x1xf32, #tpu.memory_space<vmem>>) attributes {dimension_semantics = [#tpu.dimension_semantics<arbitrary>], iteration_bounds = array<i64: 4>, scalar_prefetch = 0 : i64, scratch_operands = 0 : i64, tpu.core_type = #tpu.core_type<tc>, window_params = [{transform_indices = @transform_0, window_bounds = array<i64: 4096, 13>}, {transform_indices = @transform_1, window_bounds = array<i64: 4096, 416>}, {pipeline_mode = #tpu.pipeline_mode<synchronous>, transform_indices = @transform_2, window_bounds = array<i64: 13, 128>}, {pipeline_mode = #tpu.pipeline_mode<synchronous>, transform_indices = @transform_3, window_bounds = array<i64: 416, 128>}, {pipeline_mode = #tpu.pipeline_mode<synchronous>, transform_indices = @transform_4, window_bounds = array<i64: 1, 128>}, {pipeline_mode = #tpu.pipeline_mode<synchronous>, transform_indices = @transform_5, window_bounds = array<i64: 128, 64>}, {pipeline_mode = #tpu.pipeline_mode<synchronous>, transform_indices = @transform_6, window_bounds = array<i64: 1, 64>}, {pipeline_mode = #tpu.pipeline_mode<synchronous>, transform_indices = @transform_7, window_bounds = array<i64: 64, 1>}, {pipeline_mode = #tpu.pipeline_mode<synchronous>, transform_indices = @transform_8, window_bounds = array<i64: 1, 1>}, {transform_indices = @transform_9, window_bounds = array<i64: 4096, 1>}]} {
    %get3A = arith.constant 0 : index
    %get3A_0 = arith.constant 0 : index
    %get3A_1 = vector.load %arg1[%get3A, %get3A_0] : memref<4096x13xf32, #tpu.memory_space<vmem>>, vector<4096x13xf32>
    %get3A_2 = arith.constant 0 : index
    %get3A_3 = arith.constant 0 : index
    %get3A_4 = vector.load %arg3[%get3A_2, %get3A_3] : memref<13x128xf32, #tpu.memory_space<vmem>>, vector<13x128xf32>
    %dot_general3A = arith.constant dense<0.000000e+00> : vector<4096x128xf32>
    %dot_general3A_5 = tpu.matmul %get3A_1, %get3A_4, %dot_general3A {dimension_numbers = #tpu.dot_dimension_numbers<[1], [0], [0], [1], [0, 0, 1, 1], [], []>, transpose_lhs_hint = false} : vector<4096x13xf32>, vector<13x128xf32>, vector<4096x128xf32> -> vector<4096x128xf32>
    %get3A_6 = arith.constant 0 : index
    %get3A_7 = arith.constant 0 : index
    %get3A_8 = vector.load %arg2[%get3A_6, %get3A_7] : memref<4096x416xf32, #tpu.memory_space<vmem>>, vector<4096x416xf32>
    %get3A_9 = arith.constant 0 : index
    %get3A_10 = arith.constant 0 : index
    %get3A_11 = vector.load %arg4[%get3A_9, %get3A_10] : memref<416x128xf32, #tpu.memory_space<vmem>>, vector<416x128xf32>
    %dot_general3A_12 = arith.constant dense<0.000000e+00> : vector<4096x128xf32>
    %dot_general3A_13 = tpu.matmul %get3A_8, %get3A_11, %dot_general3A_12 {dimension_numbers = #tpu.dot_dimension_numbers<[1], [0], [0], [1], [0, 0, 1, 1], [], []>, transpose_lhs_hint = false} : vector<4096x416xf32>, vector<416x128xf32>, vector<4096x128xf32> -> vector<4096x128xf32>
    %add3A = arith.addf %dot_general3A_5, %dot_general3A_13 : vector<4096x128xf32>
    %get3A_14 = arith.constant 0 : index
    %get3A_15 = arith.constant 0 : index
    %get3A_16 = vector.load %arg5[%get3A_14, %get3A_15] : memref<1x128xf32, #tpu.memory_space<vmem>>, vector<1x128xf32>
    %add3A_17 = vector.broadcast %get3A_16 : vector<1x128xf32> to vector<4096x128xf32>
    %add3A_18 = arith.addf %add3A, %add3A_17 : vector<4096x128xf32>
    %max3A = arith.constant 0.000000e+00 : f32
    %max3A_19 = vector.broadcast %max3A : f32 to vector<4096x128xf32>
    %max3A_20 = arith.maximumf %add3A_18, %max3A_19 : vector<4096x128xf32>
    %get3A_21 = arith.constant 0 : index
    %get3A_22 = arith.constant 0 : index
    %get3A_23 = vector.load %arg6[%get3A_21, %get3A_22] : memref<128x64xf32, #tpu.memory_space<vmem>>, vector<128x64xf32>
    %dot_general3A_24 = arith.constant dense<0.000000e+00> : vector<4096x64xf32>
    %dot_general3A_25 = tpu.matmul %max3A_20, %get3A_23, %dot_general3A_24 {dimension_numbers = #tpu.dot_dimension_numbers<[1], [0], [0], [1], [0, 0, 1, 1], [], []>, transpose_lhs_hint = false} : vector<4096x128xf32>, vector<128x64xf32>, vector<4096x64xf32> -> vector<4096x64xf32>
    %get3A_26 = arith.constant 0 : index
    %get3A_27 = arith.constant 0 : index
    %get3A_28 = vector.load %arg7[%get3A_26, %get3A_27] : memref<1x64xf32, #tpu.memory_space<vmem>>, vector<1x64xf32>
    %add3A_29 = vector.broadcast %get3A_28 : vector<1x64xf32> to vector<4096x64xf32>
    %add3A_30 = arith.addf %dot_general3A_25, %add3A_29 : vector<4096x64xf32>
    %max3A_31 = arith.constant 0.000000e+00 : f32
    %max3A_32 = vector.broadcast %max3A_31 : f32 to vector<4096x64xf32>
    %max3A_33 = arith.maximumf %add3A_30, %max3A_32 : vector<4096x64xf32>
    %get3A_34 = arith.constant 0 : index
    %get3A_35 = arith.constant 0 : index
    %get3A_36 = vector.load %arg8[%get3A_34, %get3A_35] : memref<64x1xf32, #tpu.memory_space<vmem>>, vector<64x1xf32>
    %dot_general3A_37 = arith.constant dense<0.000000e+00> : vector<4096x1xf32>
    %dot_general3A_38 = tpu.matmul %max3A_33, %get3A_36, %dot_general3A_37 {dimension_numbers = #tpu.dot_dimension_numbers<[1], [0], [0], [1], [0, 0, 1, 1], [], []>, transpose_lhs_hint = false} : vector<4096x64xf32>, vector<64x1xf32>, vector<4096x1xf32> -> vector<4096x1xf32>
    %get3A_39 = arith.constant 0 : index
    %get3A_40 = arith.constant 0 : index
    %get3A_41 = vector.load %arg9[%get3A_39, %get3A_40] : memref<1x1xf32, #tpu.memory_space<vmem>>, vector<1x1xf32>
    %add3A_42 = vector.broadcast %get3A_41 : vector<1x1xf32> to vector<4096x1xf32>
    %add3A_43 = arith.addf %dot_general3A_38, %add3A_42 : vector<4096x1xf32>
    %swap3A = arith.constant 0 : index
    %swap3A_44 = arith.constant 0 : index
    %swap3A_45 = vector.load %arg10[%swap3A, %swap3A_44] : memref<4096x1xf32, #tpu.memory_space<vmem>>, vector<4096x1xf32>
    tpu.vector_store %arg10[%swap3A, %swap3A_44], %add3A_43 {strides = array<i32>} : memref<4096x1xf32, #tpu.memory_space<vmem>>, vector<4096x1xf32>,
    return
  }
  func.func @transform_0(%arg0: i32) -> (i32, i32) {
    %c0_i32 = arith.constant 0 : i32
    %c0_i32_0 = arith.constant 0 : i32
    return %arg0, %c0_i32 : i32, i32
  }
  func.func @transform_1(%arg0: i32) -> (i32, i32) {
    %c0_i32 = arith.constant 0 : i32
    %c0_i32_0 = arith.constant 0 : i32
    return %arg0, %c0_i32 : i32, i32
  }
  func.func @transform_2(%arg0: i32) -> (i32, i32) {
    %c0_i32 = arith.constant 0 : i32
    %c0_i32_0 = arith.constant 0 : i32
    %c0_i32_1 = arith.constant 0 : i32
    return %c0_i32, %c0_i32_0 : i32, i32
  }
  func.func @transform_3(%arg0: i32) -> (i32, i32) {
    %c0_i32 = arith.constant 0 : i32
    %c0_i32_0 = arith.constant 0 : i32
    %c0_i32_1 = arith.constant 0 : i32
    return %c0_i32, %c0_i32_0 : i32, i32
  }
  func.func @transform_4(%arg0: i32) -> (i32, i32) {
    %c0_i32 = arith.constant 0 : i32
    %c0_i32_0 = arith.constant 0 : i32
    %c0_i32_1 = arith.constant 0 : i32
    return %c0_i32, %c0_i32_0 : i32, i32
  }
  func.func @transform_5(%arg0: i32) -> (i32, i32) {
    %c0_i32 = arith.constant 0 : i32
    %c0_i32_0 = arith.constant 0 : i32
    %c0_i32_1 = arith.constant 0 : i32
    return %c0_i32, %c0_i32_0 : i32, i32
  }
  func.func @transform_6(%arg0: i32) -> (i32, i32) {
    %c0_i32 = arith.constant 0 : i32
    %c0_i32_0 = arith.constant 0 : i32
    %c0_i32_1 = arith.constant 0 : i32
    return %c0_i32, %c0_i32_0 : i32, i32
  }
  func.func @transform_7(%arg0: i32) -> (i32, i32) {
    %c0_i32 = arith.constant 0 : i32
    %c0_i32_0 = arith.constant 0 : i32
    %c0_i32_1 = arith.constant 0 : i32
    return %c0_i32, %c0_i32_0 : i32, i32
  }
  func.func @transform_8(%arg0: i32) -> (i32, i32) {
    %c0_i32 = arith.constant 0 : i32
    %c0_i32_0 = arith.constant 0 : i32
    %c0_i32_1 = arith.constant 0 : i32
    return %c0_i32, %c0_i32_0 : i32, i32
  }
  func.func @transform_9(%arg0: i32) -> (i32, i32) {
    %c0_i32 = arith.constant 0 : i32
    %c0_i32_0 = arith.constant 0 : i32
    return %arg0, %c0_i32 : i32, i32
  }
}

</mosaic_0001>

<sc_bundles>
// kernel: kernel.5.cloned.1.call-start
scs
__scs_entry_jumppad:
0x0: {  	(pc) =	sbr.rel $0x88, $3  }
0x1: {  	(tag) =	ssettag $0x0;
	lr =	simm.s32 $0x1  }
0x2: {  	[smem:$0x3F98] =	sst lr;
	_ =	strace $0xD0000000  }
0x3: {  	_ = 	snop  }
0x4: {  	_ = 	snop  }
0x5: {  	_ = 	snop  }
0x6: {  	_ = 	snop  }
0x7: {  	_ = 	snop  }
__scs_overlays_trampoline_lowered:
0x8: {  	[smem:$0x3FA7] =	sst s0  }
0x9: {  	[smem:$0x3FA8] =	sst s1  }
0xa: {  	[smem:$0x3FA9] =	sst s2  }
0xb: {  	[smem:$0x3FAA] =	sst s3  }
0xc: {  	[smem:$0x3FAB] =	sst s4  }
0xd: {  	[smem:$0x3FAC] =	sst s5  }
0xe: {  	[smem:$0x3FAD] =	sst s6  }
0xf: {  	[smem:$0x3FAE] =	sst s7  }
0x10: {  	[smem:$0x3FAF] =	sst s8  }
0x11: {  	[smem:$0x3FB0] =	sst s9;
	s0 =	simm.s32 @!p0 $0x0  }
0x12: {  	s1 =	sld [smem:$0x3F96];
	s0 =	simm.s32 @p0 $0x1  }
0x13: {  	[smem:$0x3FB1] =	sst s0;
	s0 =	simm.s32 @!p1 $0x0  }
0x14: {  	s2 =	sld [smem:$0x3F95];
	s0 =	simm.s32 @p1 $0x1  }
0x15: {  	[smem:$0x3FB2] =	sst s0;
	s0 =	simm.s32 @!p2 $0x0  }
0x16: {  	s3 =	sld [smem:$0x3FDB];
	s0 =	simm.s32 @p2 $0x1  }
0x17: {  	s4 =	simm.s32 $0x1BF5;
	[smem:$0x3FB4] =	sst s0  }
0x18: {  	s0 =	sld [smem:$0x3F97];
	_ =	swait.ge [sflag:s4], $0x0  }
0x19: {  	s7 =	sld [smem:$0x3F98]  }
0x1a: {  	s8 =	sadd.s32 $0xFFFFE003, lr  }
0x1b: {  	s9 =	sadd.s32 $0xFFFFFEF7, lr;
	s5 =	simm.s32 $0xFFFFFFFF;
	p2 =	slt.u32 s8, $0xFFFFF086  }
0x1c: {  	p1 =	slt.u32 s9, $0xF7A;
	s5 =	simm.s32 @!p2 $0x0  }
0x1d: {  	s5 =	simm.s32 @p1 $0x1;
	p0 =	seq.s32 s7, s2  }
0x1e: {  	s7 =	smul.u32 @!p0 $0xF7A, s2;
	p2 =	seq.s32 @!p0 s5, $0x0  }
0x1f: {  	s9 =	smul.u32 $0xF7A, s1;
	s8 =	simm.s32 @!p0 $0x1BF5;
	p2 =	por !p2, p0  }
0x20: {  	[sflag:s8] =	ssyncset.s32 @!p0 $0xFFFFF086;
	s6 =	sadd.s32 @!p0 s3, s7;
	s7 =	simm.s32 @!p0 $0x108  }
0x21: {  	s3 =	sadd.s32 s3, s9;
	s6 =	sadd.s32 @!p0 $0x88, s6;
	s7 =	simm.s32 @p2 $0x1082  }
0x22: {  	[simem:s7], [sflag:s8] =	dma.local @!p0 [hbm:s6], $0xF7A  }
0x23: {  	s9 =	sor.u32 $0xD0000000, s2;
	s6 =	simm.s32 $0x108;
	_ =	swait.ge @!p0 [sflag:s8], $0x0  }
0x24: {  	s3 =	sadd.s32 $0x88, s3;
	s6 =	simm.s32 @!p1 $0x1082;
	[sflag:s4] =	ssyncset.s32 $0xFFFFF086  }
0x25: {  	[simem:s6], [sflag:s4] =	dma.local [hbm:s3], $0xF7A  }
0x26: {  	[smem:$0x3F98] =	sst s1;
	(tag) =	ssettag s2;
	_ =	strace s9  }
0x27: {  	s1 =	sld [smem:$0x3FA8]  }
0x28: {  	s2 =	sld [smem:$0x3FA9]  }
0x29: {  	s4 =	sld [smem:$0x3FAB]  }
0x2a: {  	p0 =	seq.s32 s5, $0x0;
	s5 =	sld [smem:$0x3FAC]  }
0x2b: {  	s6 =	sld [smem:$0x3FAD]  }
0x2c: {  	s7 =	sld [smem:$0x3FAE]  }
0x2d: {  	s3 =	simm.s32 $0x108;
	s8 =	sld [smem:$0x3FAF]  }
0x2e: {  	s3 =	simm.s32 @!p0 $0x1082;
	s9 =	sld [smem:$0x3FB0]  }
0x2f: {  	lr =	sadd.s32 s0, s3;
	s0 =	sld [smem:$0x3FA7]  }
0x30: {  	s3 =	sld [smem:$0x3FAA]  }
0x31: {  	[smem:$0x3FB3] =	sst s10  }
0x32: {  	s10 =	sld [smem:$0x3FB1];
	_ =	sdelay $0x3  }
0x33: {  	p0 =	seq.s32 s10, $0x1;
	s10 =	sld [smem:$0x3FB3];
	_ =	sdelay $0x3  }
0x34: {  	[smem:$0x3FB3] =	sst s10  }
0x35: {  	s10 =	sld [smem:$0x3FB2];
	_ =	sdelay $0x3  }
0x36: {  	p1 =	seq.s32 s10, $0x1;
	s10 =	sld [smem:$0x3FB3];
	_ =	sdelay $0x3  }
0x37: {  	[smem:$0x3FB3] =	sst s10  }
0x38: {  	s10 =	sld [smem:$0x3FB4]  }
0x39: {  	_ = 	snop;
	(pc) =	sbr.ind lr, $3  }
0x3a: {  	_ = 	snop  }
0x3b: {  	_ = 	snop  }
0x3c: {  	p2 =	seq.s32 s10, $0x1;
	s10 =	sld [smem:$0x3FB3]  }
0x3d: {  	_ =	shalt  }
0x3e: {  	_ =	shalt  }
0x3f: {  	_ =	shalt  }
0x40: {  	_ =	shalt  }
0x41: {  	_ =	shalt  }
0x42: {  	_ =	shalt  }
0x43: {  	_ =	shalt  }
0x44: {  	_ =	shalt  }
0x45: {  	_ =	shalt  }
0x46: {  	_ =	shalt  }
0x47: {  	_ =	shalt  }
0x48: {  	_ =	shalt  }
0x49: {  	_ =	shalt  }
0x4a: {  	_ =	shalt  }
0x4b: {  	_ =	shalt  }
0x4c: {  	_ =	shalt  }
0x4d: {  	_ =	shalt  }
0x4e: {  	_ =	shalt  }
0x4f: {  	_ =	shalt  }
0x50: {  	_ =	shalt  }
0x51: {  	_ =	shalt  }
0x52: {  	_ =	shalt  }
0x53: {  	_ =	shalt  }
0x54: {  	_ =	shalt  }
0x55: {  	_ =	shalt  }
0x56: {  	_ =	shalt  }
0x57: {  	_ =	shalt  }
0x58: {  	_ =	shalt  }
0x59: {  	_ =	shalt  }
0x5a: {  	_ =	shalt  }
0x5b: {  	_ =	shalt  }
0x5c: {  	_ =	shalt  }
0x5d: {  	_ =	shalt  }
0x5e: {  	_ =	shalt  }
0x5f: {  	_ =	shalt  }
0x60: {  	_ =	shalt  }
0x61: {  	_ =	shalt  }
0x62: {  	_ =	shalt  }
0x63: {  	_ =	shalt  }
0x64: {  	_ =	shalt  }
0x65: {  	_ =	shalt  }
0x66: {  	_ =	shalt  }
0x67: {  	_ =	shalt  }
0x68: {  	_ =	shalt  }
0x69: {  	_ =	shalt  }
0x6a: {  	_ =	shalt  }
0x6b: {  	_ =	shalt  }
0x6c: {  	_ =	shalt  }
0x6d: {  	_ =	shalt  }
0x6e: {  	_ =	shalt  }
0x6f: {  	_ =	shalt  }
0x70: {  	_ =	shalt  }
0x71: {  	_ =	shalt  }
0x72: {  	_ =	shalt  }
0x73: {  	_ =	shalt  }
0x74: {  	_ =	shalt  }
0x75: {  	_ =	shalt  }
0x76: {  	_ =	shalt  }
0x77: {  	_ =	shalt  }
0x78: {  	_ =	shalt  }
0x79: {  	_ =	shalt  }
0x7a: {  	_ =	shalt  }
0x7b: {  	_ =	shalt  }
0x7c: {  	_ =	shalt  }
0x7d: {  	_ =	shalt  }
0x7e: {  	_ =	shalt  }
0x7f: {  	_ =	shalt  }
0x80: {  	_ =	shalt  }
0x81: {  	_ =	shalt  }
0x82: {  	_ =	shalt  }
0x83: {  	_ =	shalt  }
0x84: {  	_ =	shalt  }
0x85: {  	_ =	shalt  }
0x86: {  	_ =	shalt  }
0x87: {  	_ =	shalt  }
.Lfunc_end0:
.L_simem_size_0:
called_computation_lowered:
.L_overlay_start_0:
0x88: {  	s2 =	sld [smem:$0x3FD9]  }
0x89: {  	s3 =	sld [smem:$0x3FFE];
	_ =	sdelay $0x1  }
0x8a: {  	s1 =	srdreg.scid  }
0x8b: {  	s0 =	sand.u32 $0x1, s1  }
0x8c: {  	s16 =	sshll.u32 s0, $0xA;
	s2 =	sadd.s32 s3, s2  }
0x8d: {  	s2 =	sadd.s32 s2, s16  }
0x8e: {  	[smem:$0x3FBF] =	sst s2  }
0x8f: {  	_ = 	snop  }
0x90: {  	(tm) =	ssettm $0x1  }
0x91: {  	s17 =	sld [smem:$0x3FFB];
	_ =	sdelay $0x3  }
0x92: {  	_ =	strace s17  }
0x93: {  	s2 =	sld [smem:$0x3FFC];
	_ =	sdelay $0x3  }
0x94: {  	_ =	strace s2  }
0x95: {  	s2 =	sld [smem:$0x3FFD];
	_ =	sdelay $0x3  }
0x96: {  	_ =	strace s2  }
0x97: {  	_ =	strace $0x8FFFFFFF  }
0x98: {  	s18 =	sld [smem:$0x3FDB];
	_ =	sdelay $0x1  }
0x99: {  	s19 =	simm.s32 $_scs_section_size  }
0x9a: {  	s4 =	simm.s32 $_size__tile_overlayer_lowered;
	s5 =	simm.s32 $_tile_overlayer_lowered  }
0x9b: {  	s22 =	simm.s32 $0x1BFF;
	s21 =	sshll.u32 s5, $0x1;
	s2 =	sadd.s32 s19, s18  }
0x9c: {  	s6 =	simm.s32 $0x0;
	s20 =	sshll.u32 s4, $0x1;
	s4 =	sadd.s32 s21, s2  }
0x9d: {  	[timem:s6], [sflag:s22] =	dma.local [hbm:s4], s20  }
0x9e: {  	_ =	swait.ge [sflag:s22], s20  }
0x9f: {  	s3 =	ssub.s32 $0x0, s20;
	[sflag:s22] =	ssyncset.done $0x0  }
0xa0: {  	[sflag:s22] =	ssyncadd.s32 s3;
	_ =	sdelay $0x1  }
0xa1: {  	s23 =	simm.s32 $0x1B8B  }
0xa2: {  	_ =	swait.ge [sflag:s23], $0x1  }
0xa3: {  	[sflag:s23] =	ssyncset.done $0x0  }
0xa4: {  	s25 =	simm.s32 $0x1B8E;
	s24 =	sld [smem:$0x3FFE];
	[sflag:s23] =	ssyncadd.s32 $0xFFFFFFFF  }
0xa5: {  	s26 =	simm.s32 $execute0_lowered;
	[smem:$0x3FD2] =	sst s25  }
0xa6: {  	s4 =	sshll.u32 s26, $0x1;
	_ =	strace $0x80000046;
	[dreg:$0x1] =	wrdreg $0xFFFFFFFF  }
0xa7: {  	s28 =	simm.s32 $_size_execute0_lowered;
	s2 =	sadd.s32 s2, s4;
	[dreg:$0x0] =	wrdreg $0x0  }
0xa8: {  	s4 =	sshll.u32 s28, $0x1;
	[dreg:$0x2] =	wrdreg s2  }
0xa9: {  	[dreg:$0x3] =	wrdreg s4  }
0xaa: {  	[dreg:$0x4] =	wrdreg $0xC0  }
0xab: {  	_ =	task [dreg:s6], $0x5FFFF  }
0xac: {  	[dreg:$0x1] =	wrdreg $0xFFFFFFFF  }
0xad: {  	[dreg:$0x0] =	wrdreg $0x60  }
0xae: {  	[dreg:$0x2] =	wrdreg s24  }
0xaf: {  	[dreg:$0x3] =	wrdreg $0x9  }
0xb0: {  	_ =	task.clear_ibuf [dreg:s6], $0x4FFFF;
	_ =	strace $0x90000046  }
0xb1: {  	s29 =	simm.s32 $0x9;
	_ =	strace $0x80000048  }
0xb2: {  	_ =	swait.ge [sflag:s29], $0x1  }
0xb3: {  	[sflag:s29] =	ssyncadd.s32 $0xFFFFFFFF  }
0xb4: {  	_ =	strace $0x90000048  }
0xb5: {  	_ =	sfence  }
0xb6: {  	s30 =	sld [smem:$0x0];
	_ =	sdelay $0x2  }
0xb7: {  	s31 =	sshll.u32 s1, $0xD;
	s1 =	sshrl.u32 s1, $0x2  }
0xb8: {  	s3 =	sand.u32 $0x4000, s31;
	s1 =	sadd.s32 s1, s30  }
0xb9: {  	s0 =	sor.u32 s3, s0;
	s1 =	sshll.u32 s1, $0x11  }
0xba: {  	s0 =	sor.u32 s1, s0  }
0xbb: {  	s0 =	sadd.s32 $0x8F2B, s0  }
0xbc: {  	[sflag:s0] =	ssyncadd.remote.s32 $0x1  }
0xbd: {  	_ =	sfence.sel $0xFFFF  }
0xbe: {  	[dreg:$0x0] =	wrdreg $0xFFFFFFFF;
	(pc) =	sbr.abs _section_cstart, $3  }
0xbf: {  	[dreg:$0x1] =	wrdreg $0xFFFFFFFF  }
0xc0: {  	_ =	task.clear_ibuf [dreg:s6], $0x2FFFF;
	_ =	strace $0x9FFFFFFF  }
0xc1: {  	(tm) =	ssettm $0x7FFFFFFF  }
tec
execute0_lowered:
.L_overlay_start_1:
0x0: {  	(tag) =	ssettag $0x1  }
0x1: {  	s0 =	srdreg.scid;
	s8 =	stileid.u32  }
0x2: {  	s2 =	rddreg [dreg:$0x0];
	s14 =	smul.u32 $0xD0, s8  }
0x3: {  	s26 =	simm.s32 $0x0;
	s0 =	sand.u32 $0x1, s0;
	s19 =	smul.u32 $0x6800, s8  }
0x4: {  	s9 =	simm.s32 $0xA400;
	s1 =	sshll.u32 s8, $0x1;
	s17 =	smul.u32 $0x68, s0  }
0x5: {  	s1 =	sor.u32 s0, s1;
	s6 =	ssub.s32 $0x2, s0;
	s0 =	smul.u32 $0x3400, s0  }
0x6: {  	s10 =	simm.s32 $0xAC00;
	s11 =	simm.s32 $0xB400;
	s3 =	smul.u32 $0x680, s1  }
0x7: {  	[smem:$0x7FF] =	sst s26;
	s8 =	simm.s32 $0x9C00;
	s5 =	smul.u32 $0x34000, s1  }
0x8: {  	_ =	strace $0x80000047;
	s7 =	sshrl.u32 s6, $0x1;
	s1 =	smul.u32 $0x6800, s1  }
0x9: {  	s6 =	ssub.s32 s6, s7;
	s0 =	sadd.s32 s0, s19;
	s7 =	simm.s32 $0x9400  }
0xa: {  	s19 =	simm.s32 $0xF400;
	s4 =	sadd.s32 s3, s2;
	s3 =	sadd.s32 $0x27AD600, s2  }
0xb: {  	s2 =	sadd.s32 $0xE200, s2;
	s22 =	smax.u32 s6, $0x1;
	[dreg:$0xc] =	wrdreg s0  }
0xc: {  	s5 =	sshrl.u32 s5, $0x3;
	s4 =	sadd.s32 $0x1200, s4;
	[dreg:$0xb] =	wrdreg s22  }
0xd: {  	s12 =	sadd.s32 s2, s5;
	s1 =	sadd.s32 s2, s1;
	[dreg:$0x2] =	wrdreg s4  }
0xe: {  	s6 =	simm.s32 $0x8C00;
	[dreg:$0x3] =	wrdreg s1;
	s13 =	sadd.s32 $0xD00, s12  }
0xf: {  	s22 =	simm.s32 $0x3;
	s15 =	sadd.s32 $0x1A00, s12;
	[dreg:$0x4] =	wrdreg s13  }
0x10: {  	s2 =	simm.s32 $0x2;
	s16 =	sadd.s32 $0x2700, s12;
	[dreg:$0x5] =	wrdreg s15  }
0x11: {  	s5 =	sadd.s32 $0x3400, s12;
	s18 =	sadd.s32 $0x4100, s12;
	[dreg:$0x6] =	wrdreg s16  }
0x12: {  	s20 =	sadd.s32 $0x4E00, s12;
	s1 =	sadd.s32 s17, s14;
	[dreg:$0x7] =	wrdreg s5  }
0x13: {  	s21 =	sadd.s32 $0x5B00, s12;
	s4 =	simm.s32 $0x7C00;
	[dreg:$0x8] =	wrdreg s18  }
0x14: {  	s12 =	simm.s32 $0xBC00;
	[dreg:$0x9] =	wrdreg s20;
	s1 =	sshll.u32 s1, $0x7  }
0x15: {  	s14 =	simm.s32 $0xCC00;
	[dreg:$0xa] =	wrdreg s21;
	s23 =	sadd.s32 $0x680, s1  }
0x16: {  	s17 =	simm.s32 $0xE400;
	s24 =	sadd.s32 $0xD00, s1;
	[dreg:$0xd] =	wrdreg s23  }
0x17: {  	s5 =	simm.s32 $0x8400;
	s25 =	sadd.s32 $0x1380, s1;
	[dreg:$0xe] =	wrdreg s24  }
0x18: {  	s13 =	simm.s32 $0xC400;
	s28 =	sadd.s32 $0x1A00, s1;
	[dreg:$0xf] =	wrdreg s25  }
0x19: {  	s15 =	simm.s32 $0xD400;
	s29 =	sadd.s32 $0x2080, s1;
	[dreg:$0x10] =	wrdreg s28  }
0x1a: {  	s16 =	simm.s32 $0xDC00;
	s30 =	sadd.s32 $0x2700, s1;
	[dreg:$0x11] =	wrdreg s29  }
0x1b: {  	s18 =	simm.s32 $0xEC00;
	s31 =	sadd.s32 $0x2D80, s1;
	[dreg:$0x12] =	wrdreg s30  }
0x1c: {  	s20 =	simm.s32 $0xFC00;
	s21 =	simm.s32 $0x1;
	[dreg:$0x13] =	wrdreg s31  }
0x1d: {  	v0 =	vlaneseq.u32;
	s23 =	simm.s32 $0x80;
	s24 =	simm.s32 $0x3400;
	s25 =	simm.s32 $0x0  }
.LBB2_1:
0x1e: {  	s0 =	rddreg [dreg:$0x2]  }
0x1f: {  	[tilespmem:s26], [sflag:$0x3] =	stream.linear.gather [hbm4b:s0+s26], $0x3400, $0x38;
	[tilespmem:$0x10400] =	vst v63  }
0x20: {  	_ =	swait.ge [sflag:s22], $0x3400  }
0x21: {  	s28 =	simm.s32 $0x0;
	[sflag:s22] =	ssyncset.done $0x0  }
0x22: {  	s1 =	simm.s32 $0x0;
	s30 =	rddreg [dreg:$0xc];
	[sflag:s22] =	ssyncadd.s32 $0xFFFFCC00  }
.LBB2_2:
0x23: {  	v2 =	vor.u32 s30, v0  }
0x24: {  	v1 =	vmov s28;
	v3 =	vmulhi.u32 $0x4EC4EC4F, v2;
	_ =	sdelay $0x1  }
0x25: {  	v3 =	vshrl.u32 v3, $0x3  }
0x26: {  	v3 =	vmul.u32 $0x1A, v3  }
0x27: {  	s26 =	simm.s32 $0x0  }
0x28: {  	v2 =	vsub.s32 v2, v3;
	v3 =	vld.idx.msk [tilespmem:v1+s26+$0x0 ss:$0x1], $0xffff;
	_ =	sdelay $0x2  }
0x29: {  	s29 =	sadd.s32 $0x10, s30;
	v4 =	vmul.u32 $0x186A0, v2  }
0x2a: {  	s31 =	simm.s32 $0x40;
	s0 =	simm.s32 $0x80;
	v2 =	vor.u32 s29, v0  }
.LBB2_3:
0x2b: {  	p0 =	sne.s32 s0, $0x1C0;
	v5 =	vmulhi.u32 $0x4EC4EC4F, v2;
	v3 =	vadd.s32 v4, v3  }
0x2c: {  	[tilespmem:v1+s26+$0x0 ss:$0x1] =	vst.idx.msk $0xffff, v3;
	s26 =	sshra.s32 s31, $0x2;
	s31 =	smov.u32 s0  }
0x2d: {  	v4 =	vshrl.u32 v5, $0x3;
	v3 =	vld.idx.msk [tilespmem:v1+s26+$0x0 ss:$0x1], $0xffff  }
.Ltmp0:
0x2e: {  	v4 =	vmul.u32 $0x1A, v4;
	(pc) =	sbr.rel @p0 .LBB2_3-.Ltmp0, $4  }
0x2f: {  	_ = 	snop  }
0x30: {  	v2 =	vsub.s32 v2, v4  }
0x31: {  	s29 =	sadd.s32 $0x10, s29;
	v4 =	vmul.u32 $0x186A0, v2  }
0x32: {  	s0 =	sadd.s32 $0x40, s0;
	v2 =	vor.u32 s29, v0  }
0x33: {  	_ =	sdelay $0x1  }
0x34: {  	v5 =	vmulhi.u32 $0x4EC4EC4F, v2  }
0x35: {  	v3 =	vadd.s32 v4, v3  }
0x36: {  	s0 =	sshra.s32 s31, $0x2;
	[tilespmem:v1+s26+$0x0 ss:$0x1] =	vst.idx.msk $0xffff, v3;
	v3 =	vshrl.u32 v5, $0x3  }
0x37: {  	s1 =	sadd.s32 $0x1, s1;
	v63 =	vld.idx.msk [tilespmem:v1+s0+$0x0 ss:$0x1], $0xffff;
	v3 =	vmul.u32 $0x1A, v3  }
0x38: {  	p0 =	sne.s32 s1, $0xD  }
.Ltmp1:
0x39: {  	v2 =	vsub.s32 v2, v3;
	(pc) =	sbr.rel @p0 .LBB2_2-.Ltmp1, $3  }
0x3a: {  	v2 =	vmul.u32 $0x186A0, v2;
	_ =	sdelay $0x1  }
0x3b: {  	v2 =	vadd.s32 v2, v63  }
0x3c: {  	s30 =	sadd.s32 $0x80, s30;
	s28 =	sadd.s32 $0x80, s28;
	[tilespmem:v1+s0+$0x0 ss:$0x1] =	vst.idx.msk $0xffff, v2  }
0x3d: {  	s28 =	simm.s32 $0x0  }
0x3e: {  	[tilespmem:s24], [sflag:$0x1] =	stream.indirect.gather [hbm4b:s3+s23], $0x10, s28, s23, $0xb8;
	[tilespmem:$0x10400] =	vst v63  }
0x3f: {  	s0 =	simm.s32 $0x3C00  }
0x40: {  	[tilespmem:s0], [sflag:$0x1] =	stream.indirect.gather [hbm4b:s3+s23], $0x10, s23, s23, $0xb8;
	[tilespmem:$0x10400] =	vst v63  }
0x41: {  	s31 =	simm.s32 $0x100;
	s1 =	simm.s32 $0x4400  }
0x42: {  	[tilespmem:s1], [sflag:$0x1] =	stream.indirect.gather [hbm4b:s3+s23], $0x10, s31, s23, $0xb8;
	[tilespmem:$0x10400] =	vst v63  }
0x43: {  	s26 =	simm.s32 $0x4C00;
	s1 =	simm.s32 $0x180  }
0x44: {  	[tilespmem:s26], [sflag:$0x1] =	stream.indirect.gather [hbm4b:s3+s23], $0x10, s1, s23, $0xb8;
	[tilespmem:$0x10400] =	vst v63  }
0x45: {  	s29 =	simm.s32 $0x200;
	s31 =	simm.s32 $0x5400  }
0x46: {  	[tilespmem:s31], [sflag:$0x1] =	stream.indirect.gather [hbm4b:s3+s23], $0x10, s29, s23, $0xb8;
	[tilespmem:$0x10400] =	vst v63  }
0x47: {  	s1 =	simm.s32 $0x280;
	s26 =	simm.s32 $0x5C00  }
0x48: {  	[tilespmem:s26], [sflag:$0x1] =	stream.indirect.gather [hbm4b:s3+s23], $0x10, s1, s23, $0xb8;
	[tilespmem:$0x10400] =	vst v63  }
0x49: {  	s29 =	simm.s32 $0x300;
	s31 =	simm.s32 $0x6400  }
0x4a: {  	[tilespmem:s31], [sflag:$0x1] =	stream.indirect.gather [hbm4b:s3+s23], $0x10, s29, s23, $0xb8;
	[tilespmem:$0x10400] =	vst v63  }
0x4b: {  	s1 =	simm.s32 $0x380;
	s26 =	simm.s32 $0x6C00  }
0x4c: {  	[tilespmem:s26], [sflag:$0x1] =	stream.indirect.gather [hbm4b:s3+s23], $0x10, s1, s23, $0xb8;
	[tilespmem:$0x10400] =	vst v63  }
0x4d: {  	s29 =	simm.s32 $0x400;
	s31 =	simm.s32 $0x7400  }
0x4e: {  	[tilespmem:s31], [sflag:$0x1] =	stream.indirect.gather [hbm4b:s3+s23], $0x10, s29, s23, $0xb8;
	[tilespmem:$0x10400] =	vst v63  }
0x4f: {  	s1 =	simm.s32 $0x480  }
0x50: {  	[tilespmem:s4], [sflag:$0x1] =	stream.indirect.gather [hbm4b:s3+s23], $0x10, s1, s23, $0xb8;
	[tilespmem:$0x10400] =	vst v63  }
0x51: {  	s26 =	simm.s32 $0x500  }
0x52: {  	[tilespmem:s5], [sflag:$0x1] =	stream.indirect.gather [hbm4b:s3+s23], $0x10, s26, s23, $0xb8;
	[tilespmem:$0x10400] =	vst v63  }
0x53: {  	s29 =	simm.s32 $0x580  }
0x54: {  	[tilespmem:s6], [sflag:$0x1] =	stream.indirect.gather [hbm4b:s3+s23], $0x10, s29, s23, $0xb8;
	[tilespmem:$0x10400] =	vst v63  }
0x55: {  	s30 =	simm.s32 $0x680;
	s31 =	simm.s32 $0x600;
	s1 =	rddreg [dreg:$0xd]  }
0x56: {  	[tilespmem:s7], [sflag:$0x1] =	stream.indirect.gather [hbm4b:s3+s23], $0x10, s31, s23, $0xb8;
	[tilespmem:$0x10400] =	vst v63  }
.LBB2_6:
0x57: {  	v2 =	vor.u32 s1, v0  }
0x58: {  	v1 =	vmov s30;
	v3 =	vmulhi.u32 $0x4EC4EC4F, v2;
	_ =	sdelay $0x1  }
0x59: {  	v3 =	vshrl.u32 v3, $0x3  }
0x5a: {  	v3 =	vmul.u32 $0x1A, v3  }
0x5b: {  	s26 =	simm.s32 $0x0  }
0x5c: {  	v2 =	vsub.s32 v2, v3;
	v3 =	vld.idx.msk [tilespmem:v1+s26+$0x0 ss:$0x1], $0xffff;
	_ =	sdelay $0x2  }
0x5d: {  	s29 =	sadd.s32 $0x10, s1;
	v4 =	vmul.u32 $0x186A0, v2  }
0x5e: {  	s31 =	simm.s32 $0x40;
	s0 =	simm.s32 $0x80;
	v2 =	vor.u32 s29, v0  }
.LBB2_7:
0x5f: {  	p0 =	sne.s32 s0, $0x1C0;
	v5 =	vmulhi.u32 $0x4EC4EC4F, v2;
	v3 =	vadd.s32 v4, v3  }
0x60: {  	[tilespmem:v1+s26+$0x0 ss:$0x1] =	vst.idx.msk $0xffff, v3;
	s26 =	sshra.s32 s31, $0x2;
	s31 =	smov.u32 s0  }
0x61: {  	v4 =	vshrl.u32 v5, $0x3;
	v3 =	vld.idx.msk [tilespmem:v1+s26+$0x0 ss:$0x1], $0xffff  }
.Ltmp2:
0x62: {  	v4 =	vmul.u32 $0x1A, v4;
	(pc) =	sbr.rel @p0 .LBB2_7-.Ltmp2, $4  }
0x63: {  	_ = 	snop  }
0x64: {  	v2 =	vsub.s32 v2, v4  }
0x65: {  	s29 =	sadd.s32 $0x10, s29;
	v4 =	vmul.u32 $0x186A0, v2  }
0x66: {  	s0 =	sadd.s32 $0x40, s0;
	v2 =	vor.u32 s29, v0  }
0x67: {  	_ =	sdelay $0x1  }
0x68: {  	v5 =	vmulhi.u32 $0x4EC4EC4F, v2  }
0x69: {  	v3 =	vadd.s32 v4, v3  }
0x6a: {  	s0 =	sshra.s32 s31, $0x2;
	[tilespmem:v1+s26+$0x0 ss:$0x1] =	vst.idx.msk $0xffff, v3;
	v3 =	vshrl.u32 v5, $0x3  }
0x6b: {  	s28 =	sadd.s32 $0x1, s28;
	v63 =	vld.idx.msk [tilespmem:v1+s0+$0x0 ss:$0x1], $0xffff;
	v3 =	vmul.u32 $0x1A, v3  }
0x6c: {  	p0 =	sne.s32 s28, $0xD  }
.Ltmp3:
0x6d: {  	v2 =	vsub.s32 v2, v3;
	(pc) =	sbr.rel @p0 .LBB2_6-.Ltmp3, $3  }
0x6e: {  	v2 =	vmul.u32 $0x186A0, v2;
	_ =	sdelay $0x1  }
0x6f: {  	v2 =	vadd.s32 v2, v63  }
0x70: {  	s1 =	sadd.s32 $0x80, s1;
	s30 =	sadd.s32 $0x80, s30;
	[tilespmem:v1+s0+$0x0 ss:$0x1] =	vst.idx.msk $0xffff, v2  }
0x71: {  	s0 =	simm.s32 $0x680  }
0x72: {  	[tilespmem:s8], [sflag:$0x2] =	stream.indirect.gather [hbm4b:s3+s23], $0x10, s0, s23, $0xb8;
	[tilespmem:$0x10400] =	vst v63  }
0x73: {  	s31 =	simm.s32 $0x700  }
0x74: {  	[tilespmem:s9], [sflag:$0x2] =	stream.indirect.gather [hbm4b:s3+s23], $0x10, s31, s23, $0xb8;
	[tilespmem:$0x10400] =	vst v63  }
0x75: {  	s1 =	simm.s32 $0x780  }
0x76: {  	[tilespmem:s10], [sflag:$0x2] =	stream.indirect.gather [hbm4b:s3+s23], $0x10, s1, s23, $0xb8;
	[tilespmem:$0x10400] =	vst v63  }
0x77: {  	s26 =	simm.s32 $0x800  }
0x78: {  	[tilespmem:s11], [sflag:$0x2] =	stream.indirect.gather [hbm4b:s3+s23], $0x10, s26, s23, $0xb8;
	[tilespmem:$0x10400] =	vst v63  }
0x79: {  	s29 =	simm.s32 $0x880  }
0x7a: {  	[tilespmem:s12], [sflag:$0x2] =	stream.indirect.gather [hbm4b:s3+s23], $0x10, s29, s23, $0xb8;
	[tilespmem:$0x10400] =	vst v63  }
0x7b: {  	s31 =	simm.s32 $0x900  }
0x7c: {  	[tilespmem:s13], [sflag:$0x2] =	stream.indirect.gather [hbm4b:s3+s23], $0x10, s31, s23, $0xb8;
	[tilespmem:$0x10400] =	vst v63  }
0x7d: {  	s1 =	simm.s32 $0x980  }
0x7e: {  	[tilespmem:s14], [sflag:$0x2] =	stream.indirect.gather [hbm4b:s3+s23], $0x10, s1, s23, $0xb8;
	[tilespmem:$0x10400] =	vst v63  }
0x7f: {  	s26 =	simm.s32 $0xA00  }
0x80: {  	[tilespmem:s15], [sflag:$0x2] =	stream.indirect.gather [hbm4b:s3+s23], $0x10, s26, s23, $0xb8;
	[tilespmem:$0x10400] =	vst v63  }
0x81: {  	s29 =	simm.s32 $0xA80  }
0x82: {  	[tilespmem:s16], [sflag:$0x2] =	stream.indirect.gather [hbm4b:s3+s23], $0x10, s29, s23, $0xb8;
	[tilespmem:$0x10400] =	vst v63  }
0x83: {  	s31 =	simm.s32 $0xB00  }
0x84: {  	[tilespmem:s17], [sflag:$0x2] =	stream.indirect.gather [hbm4b:s3+s23], $0x10, s31, s23, $0xb8;
	[tilespmem:$0x10400] =	vst v63  }
0x85: {  	s1 =	simm.s32 $0xB80  }
0x86: {  	[tilespmem:s18], [sflag:$0x2] =	stream.indirect.gather [hbm4b:s3+s23], $0x10, s1, s23, $0xb8;
	[tilespmem:$0x10400] =	vst v63  }
0x87: {  	s26 =	simm.s32 $0xC00  }
0x88: {  	[tilespmem:s19], [sflag:$0x2] =	stream.indirect.gather [hbm4b:s3+s23], $0x10, s26, s23, $0xb8;
	[tilespmem:$0x10400] =	vst v63  }
0x89: {  	s29 =	simm.s32 $0xC80  }
0x8a: {  	[tilespmem:s20], [sflag:$0x2] =	stream.indirect.gather [hbm4b:s3+s23], $0x10, s29, s23, $0xb8;
	[tilespmem:$0x10400] =	vst v63  }
0x8b: {  	_ =	swait.ge [sflag:s21], $0x800  }
0x8c: {  	[sflag:s21] =	ssyncset.done $0x0  }
0x8d: {  	[sflag:s21] =	ssyncadd.s32 $0xFFFFF800  }
0x8e: {  	_ =	swait.ge [sflag:s21], $0x800  }
0x8f: {  	[sflag:s21] =	ssyncset.done $0x0  }
0x90: {  	[sflag:s21] =	ssyncadd.s32 $0xFFFFF800  }
0x91: {  	_ =	swait.ge [sflag:s21], $0x800  }
0x92: {  	[sflag:s21] =	ssyncset.done $0x0  }
0x93: {  	[sflag:s21] =	ssyncadd.s32 $0xFFFFF800  }
0x94: {  	_ =	swait.ge [sflag:s21], $0x800  }
0x95: {  	[sflag:s21] =	ssyncset.done $0x0  }
0x96: {  	[sflag:s21] =	ssyncadd.s32 $0xFFFFF800  }
0x97: {  	_ =	swait.ge [sflag:s21], $0x800  }
0x98: {  	[sflag:s21] =	ssyncset.done $0x0  }
0x99: {  	[sflag:s21] =	ssyncadd.s32 $0xFFFFF800  }
0x9a: {  	_ =	swait.ge [sflag:s21], $0x800  }
0x9b: {  	[sflag:s21] =	ssyncset.done $0x0  }
0x9c: {  	[sflag:s21] =	ssyncadd.s32 $0xFFFFF800  }
0x9d: {  	_ =	swait.ge [sflag:s21], $0x800  }
0x9e: {  	[sflag:s21] =	ssyncset.done $0x0  }
0x9f: {  	[sflag:s21] =	ssyncadd.s32 $0xFFFFF800  }
0xa0: {  	_ =	swait.ge [sflag:s21], $0x800  }
0xa1: {  	[sflag:s21] =	ssyncset.done $0x0  }
0xa2: {  	[sflag:s21] =	ssyncadd.s32 $0xFFFFF800  }
0xa3: {  	_ =	swait.ge [sflag:s21], $0x800  }
0xa4: {  	[sflag:s21] =	ssyncset.done $0x0  }
0xa5: {  	[sflag:s21] =	ssyncadd.s32 $0xFFFFF800  }
0xa6: {  	_ =	swait.ge [sflag:s21], $0x800  }
0xa7: {  	[sflag:s21] =	ssyncset.done $0x0  }
0xa8: {  	[sflag:s21] =	ssyncadd.s32 $0xFFFFF800  }
0xa9: {  	_ =	swait.ge [sflag:s21], $0x800  }
0xaa: {  	[sflag:s21] =	ssyncset.done $0x0  }
0xab: {  	[sflag:s21] =	ssyncadd.s32 $0xFFFFF800  }
0xac: {  	_ =	swait.ge [sflag:s21], $0x800  }
0xad: {  	[sflag:s21] =	ssyncset.done $0x0  }
0xae: {  	[sflag:s21] =	ssyncadd.s32 $0xFFFFF800  }
0xaf: {  	_ =	swait.ge [sflag:s21], $0x800  }
0xb0: {  	[sflag:s21] =	ssyncset.done $0x0  }
0xb1: {  	s28 =	simm.s32 $0x0;
	s31 =	rddreg [dreg:$0x3];
	[sflag:s21] =	ssyncadd.s32 $0xFFFFF800  }
0xb2: {  	[hbm4b:s31+s28] =	stream.linear.scatter [tilespmem:s24], [sflag:$0x3], $0x6800, $0x38;
	[tilespmem:$0x10400] =	vst v63  }
0xb3: {  	_ =	swait.ge [sflag:s22], $0x6800  }
0xb4: {  	[sflag:s22] =	ssyncset.done $0x0  }
0xb5: {  	s30 =	simm.s32 $0xD00;
	s1 =	rddreg [dreg:$0xe];
	[sflag:s22] =	ssyncadd.s32 $0xFFFF9800  }
.LBB2_10:
0xb6: {  	v2 =	vor.u32 s1, v0  }
0xb7: {  	v1 =	vmov s30;
	v3 =	vmulhi.u32 $0x4EC4EC4F, v2;
	_ =	sdelay $0x1  }
0xb8: {  	v3 =	vshrl.u32 v3, $0x3  }
0xb9: {  	v3 =	vmul.u32 $0x1A, v3  }
0xba: {  	s26 =	simm.s32 $0x0  }
0xbb: {  	v2 =	vsub.s32 v2, v3;
	v3 =	vld.idx.msk [tilespmem:v1+s26+$0x0 ss:$0x1], $0xffff;
	_ =	sdelay $0x2  }
0xbc: {  	s29 =	sadd.s32 $0x10, s1;
	v4 =	vmul.u32 $0x186A0, v2  }
0xbd: {  	s31 =	simm.s32 $0x40;
	s0 =	simm.s32 $0x80;
	v2 =	vor.u32 s29, v0  }
.LBB2_11:
0xbe: {  	p0 =	sne.s32 s0, $0x1C0;
	v5 =	vmulhi.u32 $0x4EC4EC4F, v2;
	v3 =	vadd.s32 v4, v3  }
0xbf: {  	[tilespmem:v1+s26+$0x0 ss:$0x1] =	vst.idx.msk $0xffff, v3;
	s26 =	sshra.s32 s31, $0x2;
	s31 =	smov.u32 s0  }
0xc0: {  	v4 =	vshrl.u32 v5, $0x3;
	v3 =	vld.idx.msk [tilespmem:v1+s26+$0x0 ss:$0x1], $0xffff  }
.Ltmp4:
0xc1: {  	v4 =	vmul.u32 $0x1A, v4;
	(pc) =	sbr.rel @p0 .LBB2_11-.Ltmp4, $4  }
0xc2: {  	_ = 	snop  }
0xc3: {  	v2 =	vsub.s32 v2, v4  }
0xc4: {  	s29 =	sadd.s32 $0x10, s29;
	v4 =	vmul.u32 $0x186A0, v2  }
0xc5: {  	s0 =	sadd.s32 $0x40, s0;
	v2 =	vor.u32 s29, v0  }
0xc6: {  	_ =	sdelay $0x1  }
0xc7: {  	v5 =	vmulhi.u32 $0x4EC4EC4F, v2  }
0xc8: {  	v3 =	vadd.s32 v4, v3  }
0xc9: {  	s0 =	sshra.s32 s31, $0x2;
	[tilespmem:v1+s26+$0x0 ss:$0x1] =	vst.idx.msk $0xffff, v3;
	v3 =	vshrl.u32 v5, $0x3  }
0xca: {  	s28 =	sadd.s32 $0x1, s28;
	v63 =	vld.idx.msk [tilespmem:v1+s0+$0x0 ss:$0x1], $0xffff;
	v3 =	vmul.u32 $0x1A, v3  }
0xcb: {  	p0 =	sne.s32 s28, $0xD  }
.Ltmp5:
0xcc: {  	v2 =	vsub.s32 v2, v3;
	(pc) =	sbr.rel @p0 .LBB2_10-.Ltmp5, $3  }
0xcd: {  	v2 =	vmul.u32 $0x186A0, v2;
	_ =	sdelay $0x1  }
0xce: {  	v2 =	vadd.s32 v2, v63  }
0xcf: {  	s1 =	sadd.s32 $0x80, s1;
	s30 =	sadd.s32 $0x80, s30;
	[tilespmem:v1+s0+$0x0 ss:$0x1] =	vst.idx.msk $0xffff, v2  }
0xd0: {  	s0 =	simm.s32 $0xD00  }
0xd1: {  	[tilespmem:s24], [sflag:$0x1] =	stream.indirect.gather [hbm4b:s3+s23], $0x10, s0, s23, $0xb8;
	[tilespmem:$0x10400] =	vst v63  }
0xd2: {  	s31 =	simm.s32 $0x3C00;
	s1 =	simm.s32 $0xD80  }
0xd3: {  	[tilespmem:s31], [sflag:$0x1] =	stream.indirect.gather [hbm4b:s3+s23], $0x10, s1, s23, $0xb8;
	[tilespmem:$0x10400] =	vst v63  }
0xd4: {  	s26 =	simm.s32 $0xE00;
	s1 =	simm.s32 $0x4400  }
0xd5: {  	[tilespmem:s1], [sflag:$0x1] =	stream.indirect.gather [hbm4b:s3+s23], $0x10, s26, s23, $0xb8;
	[tilespmem:$0x10400] =	vst v63  }
0xd6: {  	s29 =	simm.s32 $0x4C00;
	s31 =	simm.s32 $0xE80  }
0xd7: {  	[tilespmem:s29], [sflag:$0x1] =	stream.indirect.gather [hbm4b:s3+s23], $0x10, s31, s23, $0xb8;
	[tilespmem:$0x10400] =	vst v63  }
0xd8: {  	s1 =	simm.s32 $0x5400;
	s26 =	simm.s32 $0xF00  }
0xd9: {  	[tilespmem:s1], [sflag:$0x1] =	stream.indirect.gather [hbm4b:s3+s23], $0x10, s26, s23, $0xb8;
	[tilespmem:$0x10400] =	vst v63  }
0xda: {  	s29 =	simm.s32 $0x5C00;
	s31 =	simm.s32 $0xF80  }
0xdb: {  	[tilespmem:s29], [sflag:$0x1] =	stream.indirect.gather [hbm4b:s3+s23], $0x10, s31, s23, $0xb8;
	[tilespmem:$0x10400] =	vst v63  }
0xdc: {  	s1 =	simm.s32 $0x6400;
	s26 =	simm.s32 $0x1000  }
0xdd: {  	[tilespmem:s1], [sflag:$0x1] =	stream.indirect.gather [hbm4b:s3+s23], $0x10, s26, s23, $0xb8;
	[tilespmem:$0x10400] =	vst v63  }
0xde: {  	s29 =	simm.s32 $0x6C00;
	s31 =	simm.s32 $0x1080  }
0xdf: {  	[tilespmem:s29], [sflag:$0x1] =	stream.indirect.gather [hbm4b:s3+s23], $0x10, s31, s23, $0xb8;
	[tilespmem:$0x10400] =	vst v63  }
0xe0: {  	s26 =	simm.s32 $0x7400;
	s29 =	simm.s32 $0x1100  }
0xe1: {  	[tilespmem:s26], [sflag:$0x1] =	stream.indirect.gather [hbm4b:s3+s23], $0x10, s29, s23, $0xb8;
	[tilespmem:$0x10400] =	vst v63  }
0xe2: {  	s31 =	simm.s32 $0x1180  }
0xe3: {  	[tilespmem:s4], [sflag:$0x1] =	stream.indirect.gather [hbm4b:s3+s23], $0x10, s31, s23, $0xb8;
	[tilespmem:$0x10400] =	vst v63  }
0xe4: {  	s1 =	simm.s32 $0x1200  }
0xe5: {  	[tilespmem:s5], [sflag:$0x1] =	stream.indirect.gather [hbm4b:s3+s23], $0x10, s1, s23, $0xb8;
	[tilespmem:$0x10400] =	vst v63  }
0xe6: {  	s26 =	simm.s32 $0x1280  }
0xe7: {  	[tilespmem:s6], [sflag:$0x1] =	stream.indirect.gather [hbm4b:s3+s23], $0x10, s26, s23, $0xb8;
	[tilespmem:$0x10400] =	vst v63  }
0xe8: {  	s29 =	simm.s32 $0x1300  }
0xe9: {  	[tilespmem:s7], [sflag:$0x1] =	stream.indirect.gather [hbm4b:s3+s23], $0x10, s29, s23, $0xb8;
	[tilespmem:$0x10400] =	vst v63  }
0xea: {  	_ =	swait.ge [sflag:s2], $0x800  }
0xeb: {  	[sflag:s2] =	ssyncset.done $0x0  }
0xec: {  	[sflag:s2] =	ssyncadd.s32 $0xFFFFF800  }
0xed: {  	_ =	swait.ge [sflag:s2], $0x800  }
0xee: {  	[sflag:s2] =	ssyncset.done $0x0  }
0xef: {  	[sflag:s2] =	ssyncadd.s32 $0xFFFFF800  }
0xf0: {  	_ =	swait.ge [sflag:s2], $0x800  }
0xf1: {  	[sflag:s2] =	ssyncset.done $0x0  }
0xf2: {  	[sflag:s2] =	ssyncadd.s32 $0xFFFFF800  }
0xf3: {  	_ =	swait.ge [sflag:s2], $0x800  }
0xf4: {  	[sflag:s2] =	ssyncset.done $0x0  }
0xf5: {  	[sflag:s2] =	ssyncadd.s32 $0xFFFFF800  }
0xf6: {  	_ =	swait.ge [sflag:s2], $0x800  }
0xf7: {  	[sflag:s2] =	ssyncset.done $0x0  }
0xf8: {  	[sflag:s2] =	ssyncadd.s32 $0xFFFFF800  }
0xf9: {  	_ =	swait.ge [sflag:s2], $0x800  }
0xfa: {  	[sflag:s2] =	ssyncset.done $0x0  }
0xfb: {  	[sflag:s2] =	ssyncadd.s32 $0xFFFFF800  }
0xfc: {  	_ =	swait.ge [sflag:s2], $0x800  }
0xfd: {  	[sflag:s2] =	ssyncset.done $0x0  }
0xfe: {  	[sflag:s2] =	ssyncadd.s32 $0xFFFFF800  }
0xff: {  	_ =	swait.ge [sflag:s2], $0x800  }
0x100: {  	[sflag:s2] =	ssyncset.done $0x0  }
0x101: {  	[sflag:s2] =	ssyncadd.s32 $0xFFFFF800  }
0x102: {  	_ =	swait.ge [sflag:s2], $0x800  }
0x103: {  	[sflag:s2] =	ssyncset.done $0x0  }
0x104: {  	[sflag:s2] =	ssyncadd.s32 $0xFFFFF800  }
0x105: {  	_ =	swait.ge [sflag:s2], $0x800  }
0x106: {  	[sflag:s2] =	ssyncset.done $0x0  }
0x107: {  	[sflag:s2] =	ssyncadd.s32 $0xFFFFF800  }
0x108: {  	_ =	swait.ge [sflag:s2], $0x800  }
0x109: {  	[sflag:s2] =	ssyncset.done $0x0  }
0x10a: {  	[sflag:s2] =	ssyncadd.s32 $0xFFFFF800  }
0x10b: {  	_ =	swait.ge [sflag:s2], $0x800  }
0x10c: {  	[sflag:s2] =	ssyncset.done $0x0  }
0x10d: {  	[sflag:s2] =	ssyncadd.s32 $0xFFFFF800  }
0x10e: {  	_ =	swait.ge [sflag:s2], $0x800  }
0x10f: {  	[sflag:s2] =	ssyncset.done $0x0  }
0x110: {  	s28 =	simm.s32 $0x0;
	s31 =	rddreg [dreg:$0x4];
	[sflag:s2] =	ssyncadd.s32 $0xFFFFF800  }
0x111: {  	[hbm4b:s31+s28] =	stream.linear.scatter [tilespmem:s8], [sflag:$0x3], $0x6800, $0x38;
	[tilespmem:$0x10400] =	vst v63  }
0x112: {  	_ =	swait.ge [sflag:s22], $0x6800  }
0x113: {  	[sflag:s22] =	ssyncset.done $0x0  }
0x114: {  	s30 =	simm.s32 $0x1380;
	s1 =	rddreg [dreg:$0xf];
	[sflag:s22] =	ssyncadd.s32 $0xFFFF9800  }
.LBB2_14:
0x115: {  	v2 =	vor.u32 s1, v0  }
0x116: {  	v1 =	vmov s30;
	v3 =	vmulhi.u32 $0x4EC4EC4F, v2;
	_ =	sdelay $0x1  }
0x117: {  	v3 =	vshrl.u32 v3, $0x3  }
0x118: {  	v3 =	vmul.u32 $0x1A, v3  }
0x119: {  	s26 =	simm.s32 $0x0  }
0x11a: {  	v2 =	vsub.s32 v2, v3;
	v3 =	vld.idx.msk [tilespmem:v1+s26+$0x0 ss:$0x1], $0xffff;
	_ =	sdelay $0x2  }
0x11b: {  	s29 =	sadd.s32 $0x10, s1;
	v4 =	vmul.u32 $0x186A0, v2  }
0x11c: {  	s31 =	simm.s32 $0x40;
	s0 =	simm.s32 $0x80;
	v2 =	vor.u32 s29, v0  }
.LBB2_15:
0x11d: {  	p0 =	sne.s32 s0, $0x1C0;
	v5 =	vmulhi.u32 $0x4EC4EC4F, v2;
	v3 =	vadd.s32 v4, v3  }
0x11e: {  	[tilespmem:v1+s26+$0x0 ss:$0x1] =	vst.idx.msk $0xffff, v3;
	s26 =	sshra.s32 s31, $0x2;
	s31 =	smov.u32 s0  }
0x11f: {  	v4 =	vshrl.u32 v5, $0x3;
	v3 =	vld.idx.msk [tilespmem:v1+s26+$0x0 ss:$0x1], $0xffff  }
.Ltmp6:
0x120: {  	v4 =	vmul.u32 $0x1A, v4;
	(pc) =	sbr.rel @p0 .LBB2_15-.Ltmp6, $4  }
0x121: {  	_ = 	snop  }
0x122: {  	v2 =	vsub.s32 v2, v4  }
0x123: {  	s29 =	sadd.s32 $0x10, s29;
	v4 =	vmul.u32 $0x186A0, v2  }
0x124: {  	s0 =	sadd.s32 $0x40, s0;
	v2 =	vor.u32 s29, v0  }
0x125: {  	_ =	sdelay $0x1  }
0x126: {  	v5 =	vmulhi.u32 $0x4EC4EC4F, v2  }
0x127: {  	v3 =	vadd.s32 v4, v3  }
0x128: {  	s0 =	sshra.s32 s31, $0x2;
	[tilespmem:v1+s26+$0x0 ss:$0x1] =	vst.idx.msk $0xffff, v3;
	v3 =	vshrl.u32 v5, $0x3  }
0x129: {  	s28 =	sadd.s32 $0x1, s28;
	v63 =	vld.idx.msk [tilespmem:v1+s0+$0x0 ss:$0x1], $0xffff;
	v3 =	vmul.u32 $0x1A, v3  }
0x12a: {  	p0 =	sne.s32 s28, $0xD  }
.Ltmp7:
0x12b: {  	v2 =	vsub.s32 v2, v3;
	(pc) =	sbr.rel @p0 .LBB2_14-.Ltmp7, $3  }
0x12c: {  	v2 =	vmul.u32 $0x186A0, v2;
	_ =	sdelay $0x1  }
0x12d: {  	v2 =	vadd.s32 v2, v63  }
0x12e: {  	s1 =	sadd.s32 $0x80, s1;
	s30 =	sadd.s32 $0x80, s30;
	[tilespmem:v1+s0+$0x0 ss:$0x1] =	vst.idx.msk $0xffff, v2  }
0x12f: {  	s0 =	simm.s32 $0x1380  }
0x130: {  	[tilespmem:s8], [sflag:$0x2] =	stream.indirect.gather [hbm4b:s3+s23], $0x10, s0, s23, $0xb8;
	[tilespmem:$0x10400] =	vst v63  }
0x131: {  	s31 =	simm.s32 $0x1400  }
0x132: {  	[tilespmem:s9], [sflag:$0x2] =	stream.indirect.gather [hbm4b:s3+s23], $0x10, s31, s23, $0xb8;
	[tilespmem:$0x10400] =	vst v63  }
0x133: {  	s1 =	simm.s32 $0x1480  }
0x134: {  	[tilespmem:s10], [sflag:$0x2] =	stream.indirect.gather [hbm4b:s3+s23], $0x10, s1, s23, $0xb8;
	[tilespmem:$0x10400] =	vst v63  }
0x135: {  	s26 =	simm.s32 $0x1500  }
0x136: {  	[tilespmem:s11], [sflag:$0x2] =	stream.indirect.gather [hbm4b:s3+s23], $0x10, s26, s23, $0xb8;
	[tilespmem:$0x10400] =	vst v63  }
0x137: {  	s29 =	simm.s32 $0x1580  }
0x138: {  	[tilespmem:s12], [sflag:$0x2] =	stream.indirect.gather [hbm4b:s3+s23], $0x10, s29, s23, $0xb8;
	[tilespmem:$0x10400] =	vst v63  }
0x139: {  	s31 =	simm.s32 $0x1600  }
0x13a: {  	[tilespmem:s13], [sflag:$0x2] =	stream.indirect.gather [hbm4b:s3+s23], $0x10, s31, s23, $0xb8;
	[tilespmem:$0x10400] =	vst v63  }
0x13b: {  	s1 =	simm.s32 $0x1680  }
0x13c: {  	[tilespmem:s14], [sflag:$0x2] =	stream.indirect.gather [hbm4b:s3+s23], $0x10, s1, s23, $0xb8;
	[tilespmem:$0x10400] =	vst v63  }
0x13d: {  	s26 =	simm.s32 $0x1700  }
0x13e: {  	[tilespmem:s15], [sflag:$0x2] =	stream.indirect.gather [hbm4b:s3+s23], $0x10, s26, s23, $0xb8;
	[tilespmem:$0x10400] =	vst v63  }
0x13f: {  	s29 =	simm.s32 $0x1780  }
0x140: {  	[tilespmem:s16], [sflag:$0x2] =	stream.indirect.gather [hbm4b:s3+s23], $0x10, s29, s23, $0xb8;
	[tilespmem:$0x10400] =	vst v63  }
0x141: {  	s31 =	simm.s32 $0x1800  }
0x142: {  	[tilespmem:s17], [sflag:$0x2] =	stream.indirect.gather [hbm4b:s3+s23], $0x10, s31, s23, $0xb8;
	[tilespmem:$0x10400] =	vst v63  }
0x143: {  	s1 =	simm.s32 $0x1880  }
0x144: {  	[tilespmem:s18], [sflag:$0x2] =	stream.indirect.gather [hbm4b:s3+s23], $0x10, s1, s23, $0xb8;
	[tilespmem:$0x10400] =	vst v63  }
0x145: {  	s26 =	simm.s32 $0x1900  }
0x146: {  	[tilespmem:s19], [sflag:$0x2] =	stream.indirect.gather [hbm4b:s3+s23], $0x10, s26, s23, $0xb8;
	[tilespmem:$0x10400] =	vst v63  }
0x147: {  	s29 =	simm.s32 $0x1980  }
0x148: {  	[tilespmem:s20], [sflag:$0x2] =	stream.indirect.gather [hbm4b:s3+s23], $0x10, s29, s23, $0xb8;
	[tilespmem:$0x10400] =	vst v63  }
0x149: {  	_ =	swait.ge [sflag:s21], $0x800  }
0x14a: {  	[sflag:s21] =	ssyncset.done $0x0  }
0x14b: {  	[sflag:s21] =	ssyncadd.s32 $0xFFFFF800  }
0x14c: {  	_ =	swait.ge [sflag:s21], $0x800  }
0x14d: {  	[sflag:s21] =	ssyncset.done $0x0  }
0x14e: {  	[sflag:s21] =	ssyncadd.s32 $0xFFFFF800  }
0x14f: {  	_ =	swait.ge [sflag:s21], $0x800  }
0x150: {  	[sflag:s21] =	ssyncset.done $0x0  }
0x151: {  	[sflag:s21] =	ssyncadd.s32 $0xFFFFF800  }
0x152: {  	_ =	swait.ge [sflag:s21], $0x800  }
0x153: {  	[sflag:s21] =	ssyncset.done $0x0  }
0x154: {  	[sflag:s21] =	ssyncadd.s32 $0xFFFFF800  }
0x155: {  	_ =	swait.ge [sflag:s21], $0x800  }
0x156: {  	[sflag:s21] =	ssyncset.done $0x0  }
0x157: {  	[sflag:s21] =	ssyncadd.s32 $0xFFFFF800  }
0x158: {  	_ =	swait.ge [sflag:s21], $0x800  }
0x159: {  	[sflag:s21] =	ssyncset.done $0x0  }
0x15a: {  	[sflag:s21] =	ssyncadd.s32 $0xFFFFF800  }
0x15b: {  	_ =	swait.ge [sflag:s21], $0x800  }
0x15c: {  	[sflag:s21] =	ssyncset.done $0x0  }
0x15d: {  	[sflag:s21] =	ssyncadd.s32 $0xFFFFF800  }
0x15e: {  	_ =	swait.ge [sflag:s21], $0x800  }
0x15f: {  	[sflag:s21] =	ssyncset.done $0x0  }
0x160: {  	[sflag:s21] =	ssyncadd.s32 $0xFFFFF800  }
0x161: {  	_ =	swait.ge [sflag:s21], $0x800  }
0x162: {  	[sflag:s21] =	ssyncset.done $0x0  }
0x163: {  	[sflag:s21] =	ssyncadd.s32 $0xFFFFF800  }
0x164: {  	_ =	swait.ge [sflag:s21], $0x800  }
0x165: {  	[sflag:s21] =	ssyncset.done $0x0  }
0x166: {  	[sflag:s21] =	ssyncadd.s32 $0xFFFFF800  }
0x167: {  	_ =	swait.ge [sflag:s21], $0x800  }
0x168: {  	[sflag:s21] =	ssyncset.done $0x0  }
0x169: {  	[sflag:s21] =	ssyncadd.s32 $0xFFFFF800  }
0x16a: {  	_ =	swait.ge [sflag:s21], $0x800  }
0x16b: {  	[sflag:s21] =	ssyncset.done $0x0  }
0x16c: {  	[sflag:s21] =	ssyncadd.s32 $0xFFFFF800  }
0x16d: {  	_ =	swait.ge [sflag:s21], $0x800  }
0x16e: {  	[sflag:s21] =	ssyncset.done $0x0  }
0x16f: {  	s28 =	simm.s32 $0x0;
	s31 =	rddreg [dreg:$0x5];
	[sflag:s21] =	ssyncadd.s32 $0xFFFFF800  }
0x170: {  	[hbm4b:s31+s28] =	stream.linear.scatter [tilespmem:s24], [sflag:$0x3], $0x6800, $0x38;
	[tilespmem:$0x10400] =	vst v63  }
0x171: {  	_ =	swait.ge [sflag:s22], $0x6800  }
0x172: {  	[sflag:s22] =	ssyncset.done $0x0  }
0x173: {  	s30 =	simm.s32 $0x1A00;
	s1 =	rddreg [dreg:$0x10];
	[sflag:s22] =	ssyncadd.s32 $0xFFFF9800  }
.LBB2_18:
0x174: {  	v2 =	vor.u32 s1, v0  }
0x175: {  	v1 =	vmov s30;
	v3 =	vmulhi.u32 $0x4EC4EC4F, v2;
	_ =	sdelay $0x1  }
0x176: {  	v3 =	vshrl.u32 v3, $0x3  }
0x177: {  	v3 =	vmul.u32 $0x1A, v3  }
0x178: {  	s26 =	simm.s32 $0x0  }
0x179: {  	v2 =	vsub.s32 v2, v3;
	v3 =	vld.idx.msk [tilespmem:v1+s26+$0x0 ss:$0x1], $0xffff;
	_ =	sdelay $0x2  }
0x17a: {  	s29 =	sadd.s32 $0x10, s1;
	v4 =	vmul.u32 $0x186A0, v2  }
0x17b: {  	s31 =	simm.s32 $0x40;
	s0 =	simm.s32 $0x80;
	v2 =	vor.u32 s29, v0  }
.LBB2_19:
0x17c: {  	p0 =	sne.s32 s0, $0x1C0;
	v5 =	vmulhi.u32 $0x4EC4EC4F, v2;
	v3 =	vadd.s32 v4, v3  }
0x17d: {  	[tilespmem:v1+s26+$0x0 ss:$0x1] =	vst.idx.msk $0xffff, v3;
	s26 =	sshra.s32 s31, $0x2;
	s31 =	smov.u32 s0  }
0x17e: {  	v4 =	vshrl.u32 v5, $0x3;
	v3 =	vld.idx.msk [tilespmem:v1+s26+$0x0 ss:$0x1], $0xffff  }
.Ltmp8:
0x17f: {  	v4 =	vmul.u32 $0x1A, v4;
	(pc) =	sbr.rel @p0 .LBB2_19-.Ltmp8, $4  }
0x180: {  	_ = 	snop  }
0x181: {  	v2 =	vsub.s32 v2, v4  }
0x182: {  	s29 =	sadd.s32 $0x10, s29;
	v4 =	vmul.u32 $0x186A0, v2  }
0x183: {  	s0 =	sadd.s32 $0x40, s0;
	v2 =	vor.u32 s29, v0  }
0x184: {  	_ =	sdelay $0x1  }
0x185: {  	v5 =	vmulhi.u32 $0x4EC4EC4F, v2  }
0x186: {  	v3 =	vadd.s32 v4, v3  }
0x187: {  	s0 =	sshra.s32 s31, $0x2;
	[tilespmem:v1+s26+$0x0 ss:$0x1] =	vst.idx.msk $0xffff, v3;
	v3 =	vshrl.u32 v5, $0x3  }
0x188: {  	s28 =	sadd.s32 $0x1, s28;
	v63 =	vld.idx.msk [tilespmem:v1+s0+$0x0 ss:$0x1], $0xffff;
	v3 =	vmul.u32 $0x1A, v3  }
0x189: {  	p0 =	sne.s32 s28, $0xD  }
.Ltmp9:
0x18a: {  	v2 =	vsub.s32 v2, v3;
	(pc) =	sbr.rel @p0 .LBB2_18-.Ltmp9, $3  }
0x18b: {  	v2 =	vmul.u32 $0x186A0, v2;
	_ =	sdelay $0x1  }
0x18c: {  	v2 =	vadd.s32 v2, v63  }
0x18d: {  	s1 =	sadd.s32 $0x80, s1;
	s30 =	sadd.s32 $0x80, s30;
	[tilespmem:v1+s0+$0x0 ss:$0x1] =	vst.idx.msk $0xffff, v2  }
0x18e: {  	s0 =	simm.s32 $0x1A00  }
0x18f: {  	[tilespmem:s24], [sflag:$0x1] =	stream.indirect.gather [hbm4b:s3+s23], $0x10, s0, s23, $0xb8;
	[tilespmem:$0x10400] =	vst v63  }
0x190: {  	s31 =	simm.s32 $0x3C00;
	s1 =	simm.s32 $0x1A80  }
0x191: {  	[tilespmem:s31], [sflag:$0x1] =	stream.indirect.gather [hbm4b:s3+s23], $0x10, s1, s23, $0xb8;
	[tilespmem:$0x10400] =	vst v63  }
0x192: {  	s26 =	simm.s32 $0x1B00;
	s1 =	simm.s32 $0x4400  }
0x193: {  	[tilespmem:s1], [sflag:$0x1] =	stream.indirect.gather [hbm4b:s3+s23], $0x10, s26, s23, $0xb8;
	[tilespmem:$0x10400] =	vst v63  }
0x194: {  	s29 =	simm.s32 $0x4C00;
	s31 =	simm.s32 $0x1B80  }
0x195: {  	[tilespmem:s29], [sflag:$0x1] =	stream.indirect.gather [hbm4b:s3+s23], $0x10, s31, s23, $0xb8;
	[tilespmem:$0x10400] =	vst v63  }
0x196: {  	s1 =	simm.s32 $0x5400;
	s26 =	simm.s32 $0x1C00  }
0x197: {  	[tilespmem:s1], [sflag:$0x1] =	stream.indirect.gather [hbm4b:s3+s23], $0x10, s26, s23, $0xb8;
	[tilespmem:$0x10400] =	vst v63  }
0x198: {  	s29 =	simm.s32 $0x5C00;
	s31 =	simm.s32 $0x1C80  }
0x199: {  	[tilespmem:s29], [sflag:$0x1] =	stream.indirect.gather [hbm4b:s3+s23], $0x10, s31, s23, $0xb8;
	[tilespmem:$0x10400] =	vst v63  }
0x19a: {  	s1 =	simm.s32 $0x6400;
	s26 =	simm.s32 $0x1D00  }
0x19b: {  	[tilespmem:s1], [sflag:$0x1] =	stream.indirect.gather [hbm4b:s3+s23], $0x10, s26, s23, $0xb8;
	[tilespmem:$0x10400] =	vst v63  }
0x19c: {  	s29 =	simm.s32 $0x6C00;
	s31 =	simm.s32 $0x1D80  }
0x19d: {  	[tilespmem:s29], [sflag:$0x1] =	stream.indirect.gather [hbm4b:s3+s23], $0x10, s31, s23, $0xb8;
	[tilespmem:$0x10400] =	vst v63  }
0x19e: {  	s26 =	simm.s32 $0x7400;
	s29 =	simm.s32 $0x1E00  }
0x19f: {  	[tilespmem:s26], [sflag:$0x1] =	stream.indirect.gather [hbm4b:s3+s23], $0x10, s29, s23, $0xb8;
	[tilespmem:$0x10400] =	vst v63  }
0x1a0: {  	s31 =	simm.s32 $0x1E80  }
0x1a1: {  	[tilespmem:s4], [sflag:$0x1] =	stream.indirect.gather [hbm4b:s3+s23], $0x10, s31, s23, $0xb8;
	[tilespmem:$0x10400] =	vst v63  }
0x1a2: {  	s1 =	simm.s32 $0x1F00  }
0x1a3: {  	[tilespmem:s5], [sflag:$0x1] =	stream.indirect.gather [hbm4b:s3+s23], $0x10, s1, s23, $0xb8;
	[tilespmem:$0x10400] =	vst v63  }
0x1a4: {  	s26 =	simm.s32 $0x1F80  }
0x1a5: {  	[tilespmem:s6], [sflag:$0x1] =	stream.indirect.gather [hbm4b:s3+s23], $0x10, s26, s23, $0xb8;
	[tilespmem:$0x10400] =	vst v63  }
0x1a6: {  	s29 =	simm.s32 $0x2000  }
0x1a7: {  	[tilespmem:s7], [sflag:$0x1] =	stream.indirect.gather [hbm4b:s3+s23], $0x10, s29, s23, $0xb8;
	[tilespmem:$0x10400] =	vst v63  }
0x1a8: {  	_ =	swait.ge [sflag:s2], $0x800  }
0x1a9: {  	[sflag:s2] =	ssyncset.done $0x0  }
0x1aa: {  	[sflag:s2] =	ssyncadd.s32 $0xFFFFF800  }
0x1ab: {  	_ =	swait.ge [sflag:s2], $0x800  }
0x1ac: {  	[sflag:s2] =	ssyncset.done $0x0  }
0x1ad: {  	[sflag:s2] =	ssyncadd.s32 $0xFFFFF800  }
0x1ae: {  	_ =	swait.ge [sflag:s2], $0x800  }
0x1af: {  	[sflag:s2] =	ssyncset.done $0x0  }
0x1b0: {  	[sflag:s2] =	ssyncadd.s32 $0xFFFFF800  }
0x1b1: {  	_ =	swait.ge [sflag:s2], $0x800  }
0x1b2: {  	[sflag:s2] =	ssyncset.done $0x0  }
0x1b3: {  	[sflag:s2] =	ssyncadd.s32 $0xFFFFF800  }
0x1b4: {  	_ =	swait.ge [sflag:s2], $0x800  }
0x1b5: {  	[sflag:s2] =	ssyncset.done $0x0  }
0x1b6: {  	[sflag:s2] =	ssyncadd.s32 $0xFFFFF800  }
0x1b7: {  	_ =	swait.ge [sflag:s2], $0x800  }
0x1b8: {  	[sflag:s2] =	ssyncset.done $0x0  }
0x1b9: {  	[sflag:s2] =	ssyncadd.s32 $0xFFFFF800  }
0x1ba: {  	_ =	swait.ge [sflag:s2], $0x800  }
0x1bb: {  	[sflag:s2] =	ssyncset.done $0x0  }
0x1bc: {  	[sflag:s2] =	ssyncadd.s32 $0xFFFFF800  }
0x1bd: {  	_ =	swait.ge [sflag:s2], $0x800  }
0x1be: {  	[sflag:s2] =	ssyncset.done $0x0  }
0x1bf: {  	[sflag:s2] =	ssyncadd.s32 $0xFFFFF800  }
0x1c0: {  	_ =	swait.ge [sflag:s2], $0x800  }
0x1c1: {  	[sflag:s2] =	ssyncset.done $0x0  }
0x1c2: {  	[sflag:s2] =	ssyncadd.s32 $0xFFFFF800  }
0x1c3: {  	_ =	swait.ge [sflag:s2], $0x800  }
0x1c4: {  	[sflag:s2] =	ssyncset.done $0x0  }
0x1c5: {  	[sflag:s2] =	ssyncadd.s32 $0xFFFFF800  }
0x1c6: {  	_ =	swait.ge [sflag:s2], $0x800  }
0x1c7: {  	[sflag:s2] =	ssyncset.done $0x0  }
0x1c8: {  	[sflag:s2] =	ssyncadd.s32 $0xFFFFF800  }
0x1c9: {  	_ =	swait.ge [sflag:s2], $0x800  }
0x1ca: {  	[sflag:s2] =	ssyncset.done $0x0  }
0x1cb: {  	[sflag:s2] =	ssyncadd.s32 $0xFFFFF800  }
0x1cc: {  	_ =	swait.ge [sflag:s2], $0x800  }
0x1cd: {  	[sflag:s2] =	ssyncset.done $0x0  }
0x1ce: {  	s28 =	simm.s32 $0x0;
	s31 =	rddreg [dreg:$0x6];
	[sflag:s2] =	ssyncadd.s32 $0xFFFFF800  }
0x1cf: {  	[hbm4b:s31+s28] =	stream.linear.scatter [tilespmem:s8], [sflag:$0x3], $0x6800, $0x38;
	[tilespmem:$0x10400] =	vst v63  }
0x1d0: {  	_ =	swait.ge [sflag:s22], $0x6800  }
0x1d1: {  	[sflag:s22] =	ssyncset.done $0x0  }
0x1d2: {  	s30 =	simm.s32 $0x2080;
	s1 =	rddreg [dreg:$0x11];
	[sflag:s22] =	ssyncadd.s32 $0xFFFF9800  }
.LBB2_22:
0x1d3: {  	v2 =	vor.u32 s1, v0  }
0x1d4: {  	v1 =	vmov s30;
	v3 =	vmulhi.u32 $0x4EC4EC4F, v2;
	_ =	sdelay $0x1  }
0x1d5: {  	v3 =	vshrl.u32 v3, $0x3  }
0x1d6: {  	v3 =	vmul.u32 $0x1A, v3  }
0x1d7: {  	s26 =	simm.s32 $0x0  }
0x1d8: {  	v2 =	vsub.s32 v2, v3;
	v3 =	vld.idx.msk [tilespmem:v1+s26+$0x0 ss:$0x1], $0xffff;
	_ =	sdelay $0x2  }
0x1d9: {  	s29 =	sadd.s32 $0x10, s1;
	v4 =	vmul.u32 $0x186A0, v2  }
0x1da: {  	s31 =	simm.s32 $0x40;
	s0 =	simm.s32 $0x80;
	v2 =	vor.u32 s29, v0  }
.LBB2_23:
0x1db: {  	p0 =	sne.s32 s0, $0x1C0;
	v5 =	vmulhi.u32 $0x4EC4EC4F, v2;
	v3 =	vadd.s32 v4, v3  }
0x1dc: {  	[tilespmem:v1+s26+$0x0 ss:$0x1] =	vst.idx.msk $0xffff, v3;
	s26 =	sshra.s32 s31, $0x2;
	s31 =	smov.u32 s0  }
0x1dd: {  	v4 =	vshrl.u32 v5, $0x3;
	v3 =	vld.idx.msk [tilespmem:v1+s26+$0x0 ss:$0x1], $0xffff  }
.Ltmp10:
0x1de: {  	v4 =	vmul.u32 $0x1A, v4;
	(pc) =	sbr.rel @p0 .LBB2_23-.Ltmp10, $4  }
0x1df: {  	_ = 	snop  }
0x1e0: {  	v2 =	vsub.s32 v2, v4  }
0x1e1: {  	s29 =	sadd.s32 $0x10, s29;
	v4 =	vmul.u32 $0x186A0, v2  }
0x1e2: {  	s0 =	sadd.s32 $0x40, s0;
	v2 =	vor.u32 s29, v0  }
0x1e3: {  	_ =	sdelay $0x1  }
0x1e4: {  	v5 =	vmulhi.u32 $0x4EC4EC4F, v2  }
0x1e5: {  	v3 =	vadd.s32 v4, v3  }
0x1e6: {  	s0 =	sshra.s32 s31, $0x2;
	[tilespmem:v1+s26+$0x0 ss:$0x1] =	vst.idx.msk $0xffff, v3;
	v3 =	vshrl.u32 v5, $0x3  }
0x1e7: {  	s28 =	sadd.s32 $0x1, s28;
	v63 =	vld.idx.msk [tilespmem:v1+s0+$0x0 ss:$0x1], $0xffff;
	v3 =	vmul.u32 $0x1A, v3  }
0x1e8: {  	p0 =	sne.s32 s28, $0xD  }
.Ltmp11:
0x1e9: {  	v2 =	vsub.s32 v2, v3;
	(pc) =	sbr.rel @p0 .LBB2_22-.Ltmp11, $3  }
0x1ea: {  	v2 =	vmul.u32 $0x186A0, v2;
	_ =	sdelay $0x1  }
0x1eb: {  	v2 =	vadd.s32 v2, v63  }
0x1ec: {  	s1 =	sadd.s32 $0x80, s1;
	s30 =	sadd.s32 $0x80, s30;
	[tilespmem:v1+s0+$0x0 ss:$0x1] =	vst.idx.msk $0xffff, v2  }
0x1ed: {  	s0 =	simm.s32 $0x2080  }
0x1ee: {  	[tilespmem:s8], [sflag:$0x2] =	stream.indirect.gather [hbm4b:s3+s23], $0x10, s0, s23, $0xb8;
	[tilespmem:$0x10400] =	vst v63  }
0x1ef: {  	s31 =	simm.s32 $0x2100  }
0x1f0: {  	[tilespmem:s9], [sflag:$0x2] =	stream.indirect.gather [hbm4b:s3+s23], $0x10, s31, s23, $0xb8;
	[tilespmem:$0x10400] =	vst v63  }
0x1f1: {  	s1 =	simm.s32 $0x2180  }
0x1f2: {  	[tilespmem:s10], [sflag:$0x2] =	stream.indirect.gather [hbm4b:s3+s23], $0x10, s1, s23, $0xb8;
	[tilespmem:$0x10400] =	vst v63  }
0x1f3: {  	s26 =	simm.s32 $0x2200  }
0x1f4: {  	[tilespmem:s11], [sflag:$0x2] =	stream.indirect.gather [hbm4b:s3+s23], $0x10, s26, s23, $0xb8;
	[tilespmem:$0x10400] =	vst v63  }
0x1f5: {  	s29 =	simm.s32 $0x2280  }
0x1f6: {  	[tilespmem:s12], [sflag:$0x2] =	stream.indirect.gather [hbm4b:s3+s23], $0x10, s29, s23, $0xb8;
	[tilespmem:$0x10400] =	vst v63  }
0x1f7: {  	s31 =	simm.s32 $0x2300  }
0x1f8: {  	[tilespmem:s13], [sflag:$0x2] =	stream.indirect.gather [hbm4b:s3+s23], $0x10, s31, s23, $0xb8;
	[tilespmem:$0x10400] =	vst v63  }
0x1f9: {  	s1 =	simm.s32 $0x2380  }
0x1fa: {  	[tilespmem:s14], [sflag:$0x2] =	stream.indirect.gather [hbm4b:s3+s23], $0x10, s1, s23, $0xb8;
	[tilespmem:$0x10400] =	vst v63  }
0x1fb: {  	s26 =	simm.s32 $0x2400  }
0x1fc: {  	[tilespmem:s15], [sflag:$0x2] =	stream.indirect.gather [hbm4b:s3+s23], $0x10, s26, s23, $0xb8;
	[tilespmem:$0x10400] =	vst v63  }
0x1fd: {  	s29 =	simm.s32 $0x2480  }
0x1fe: {  	[tilespmem:s16], [sflag:$0x2] =	stream.indirect.gather [hbm4b:s3+s23], $0x10, s29, s23, $0xb8;
	[tilespmem:$0x10400] =	vst v63  }
0x1ff: {  	s31 =	simm.s32 $0x2500  }
0x200: {  	[tilespmem:s17], [sflag:$0x2] =	stream.indirect.gather [hbm4b:s3+s23], $0x10, s31, s23, $0xb8;
	[tilespmem:$0x10400] =	vst v63  }
0x201: {  	s1 =	simm.s32 $0x2580  }
0x202: {  	[tilespmem:s18], [sflag:$0x2] =	stream.indirect.gather [hbm4b:s3+s23], $0x10, s1, s23, $0xb8;
	[tilespmem:$0x10400] =	vst v63  }
0x203: {  	s26 =	simm.s32 $0x2600  }
0x204: {  	[tilespmem:s19], [sflag:$0x2] =	stream.indirect.gather [hbm4b:s3+s23], $0x10, s26, s23, $0xb8;
	[tilespmem:$0x10400] =	vst v63  }
0x205: {  	s29 =	simm.s32 $0x2680  }
0x206: {  	[tilespmem:s20], [sflag:$0x2] =	stream.indirect.gather [hbm4b:s3+s23], $0x10, s29, s23, $0xb8;
	[tilespmem:$0x10400] =	vst v63  }
0x207: {  	_ =	swait.ge [sflag:s21], $0x800  }
0x208: {  	[sflag:s21] =	ssyncset.done $0x0  }
0x209: {  	[sflag:s21] =	ssyncadd.s32 $0xFFFFF800  }
0x20a: {  	_ =	swait.ge [sflag:s21], $0x800  }
0x20b: {  	[sflag:s21] =	ssyncset.done $0x0  }
0x20c: {  	[sflag:s21] =	ssyncadd.s32 $0xFFFFF800  }
0x20d: {  	_ =	swait.ge [sflag:s21], $0x800  }
0x20e: {  	[sflag:s21] =	ssyncset.done $0x0  }
0x20f: {  	[sflag:s21] =	ssyncadd.s32 $0xFFFFF800  }
0x210: {  	_ =	swait.ge [sflag:s21], $0x800  }
0x211: {  	[sflag:s21] =	ssyncset.done $0x0  }
0x212: {  	[sflag:s21] =	ssyncadd.s32 $0xFFFFF800  }
0x213: {  	_ =	swait.ge [sflag:s21], $0x800  }
0x214: {  	[sflag:s21] =	ssyncset.done $0x0  }
0x215: {  	[sflag:s21] =	ssyncadd.s32 $0xFFFFF800  }
0x216: {  	_ =	swait.ge [sflag:s21], $0x800  }
0x217: {  	[sflag:s21] =	ssyncset.done $0x0  }
0x218: {  	[sflag:s21] =	ssyncadd.s32 $0xFFFFF800  }
0x219: {  	_ =	swait.ge [sflag:s21], $0x800  }
0x21a: {  	[sflag:s21] =	ssyncset.done $0x0  }
0x21b: {  	[sflag:s21] =	ssyncadd.s32 $0xFFFFF800  }
0x21c: {  	_ =	swait.ge [sflag:s21], $0x800  }
0x21d: {  	[sflag:s21] =	ssyncset.done $0x0  }
0x21e: {  	[sflag:s21] =	ssyncadd.s32 $0xFFFFF800  }
0x21f: {  	_ =	swait.ge [sflag:s21], $0x800  }
0x220: {  	[sflag:s21] =	ssyncset.done $0x0  }
0x221: {  	[sflag:s21] =	ssyncadd.s32 $0xFFFFF800  }
0x222: {  	_ =	swait.ge [sflag:s21], $0x800  }
0x223: {  	[sflag:s21] =	ssyncset.done $0x0  }
0x224: {  	[sflag:s21] =	ssyncadd.s32 $0xFFFFF800  }
0x225: {  	_ =	swait.ge [sflag:s21], $0x800  }
0x226: {  	[sflag:s21] =	ssyncset.done $0x0  }
0x227: {  	[sflag:s21] =	ssyncadd.s32 $0xFFFFF800  }
0x228: {  	_ =	swait.ge [sflag:s21], $0x800  }
0x229: {  	[sflag:s21] =	ssyncset.done $0x0  }
0x22a: {  	[sflag:s21] =	ssyncadd.s32 $0xFFFFF800  }
0x22b: {  	_ =	swait.ge [sflag:s21], $0x800  }
0x22c: {  	[sflag:s21] =	ssyncset.done $0x0  }
0x22d: {  	s28 =	simm.s32 $0x0;
	s31 =	rddreg [dreg:$0x7];
	[sflag:s21] =	ssyncadd.s32 $0xFFFFF800  }
0x22e: {  	[hbm4b:s31+s28] =	stream.linear.scatter [tilespmem:s24], [sflag:$0x3], $0x6800, $0x38;
	[tilespmem:$0x10400] =	vst v63  }
0x22f: {  	_ =	swait.ge [sflag:s22], $0x6800  }
0x230: {  	[sflag:s22] =	ssyncset.done $0x0  }
0x231: {  	s30 =	simm.s32 $0x2700;
	s1 =	rddreg [dreg:$0x12];
	[sflag:s22] =	ssyncadd.s32 $0xFFFF9800  }
.LBB2_26:
0x232: {  	v2 =	vor.u32 s1, v0  }
0x233: {  	v1 =	vmov s30;
	v3 =	vmulhi.u32 $0x4EC4EC4F, v2;
	_ =	sdelay $0x1  }
0x234: {  	v3 =	vshrl.u32 v3, $0x3  }
0x235: {  	v3 =	vmul.u32 $0x1A, v3  }
0x236: {  	s26 =	simm.s32 $0x0  }
0x237: {  	v2 =	vsub.s32 v2, v3;
	v3 =	vld.idx.msk [tilespmem:v1+s26+$0x0 ss:$0x1], $0xffff;
	_ =	sdelay $0x2  }
0x238: {  	s29 =	sadd.s32 $0x10, s1;
	v4 =	vmul.u32 $0x186A0, v2  }
0x239: {  	s31 =	simm.s32 $0x40;
	s0 =	simm.s32 $0x80;
	v2 =	vor.u32 s29, v0  }
.LBB2_27:
0x23a: {  	p0 =	sne.s32 s0, $0x1C0;
	v5 =	vmulhi.u32 $0x4EC4EC4F, v2;
	v3 =	vadd.s32 v4, v3  }
0x23b: {  	[tilespmem:v1+s26+$0x0 ss:$0x1] =	vst.idx.msk $0xffff, v3;
	s26 =	sshra.s32 s31, $0x2;
	s31 =	smov.u32 s0  }
0x23c: {  	v4 =	vshrl.u32 v5, $0x3;
	v3 =	vld.idx.msk [tilespmem:v1+s26+$0x0 ss:$0x1], $0xffff  }
.Ltmp12:
0x23d: {  	v4 =	vmul.u32 $0x1A, v4;
	(pc) =	sbr.rel @p0 .LBB2_27-.Ltmp12, $4  }
0x23e: {  	_ = 	snop  }
0x23f: {  	v2 =	vsub.s32 v2, v4  }
0x240: {  	s29 =	sadd.s32 $0x10, s29;
	v4 =	vmul.u32 $0x186A0, v2  }
0x241: {  	s0 =	sadd.s32 $0x40, s0;
	v2 =	vor.u32 s29, v0  }
0x242: {  	_ =	sdelay $0x1  }
0x243: {  	v5 =	vmulhi.u32 $0x4EC4EC4F, v2  }
0x244: {  	v3 =	vadd.s32 v4, v3  }
0x245: {  	s0 =	sshra.s32 s31, $0x2;
	[tilespmem:v1+s26+$0x0 ss:$0x1] =	vst.idx.msk $0xffff, v3;
	v3 =	vshrl.u32 v5, $0x3  }
0x246: {  	s28 =	sadd.s32 $0x1, s28;
	v63 =	vld.idx.msk [tilespmem:v1+s0+$0x0 ss:$0x1], $0xffff;
	v3 =	vmul.u32 $0x1A, v3  }
0x247: {  	p0 =	sne.s32 s28, $0xD  }
.Ltmp13:
0x248: {  	v2 =	vsub.s32 v2, v3;
	(pc) =	sbr.rel @p0 .LBB2_26-.Ltmp13, $3  }
0x249: {  	v2 =	vmul.u32 $0x186A0, v2;
	_ =	sdelay $0x1  }
0x24a: {  	v2 =	vadd.s32 v2, v63  }
0x24b: {  	s1 =	sadd.s32 $0x80, s1;
	s30 =	sadd.s32 $0x80, s30;
	[tilespmem:v1+s0+$0x0 ss:$0x1] =	vst.idx.msk $0xffff, v2  }
0x24c: {  	s0 =	simm.s32 $0x2700  }
0x24d: {  	[tilespmem:s24], [sflag:$0x1] =	stream.indirect.gather [hbm4b:s3+s23], $0x10, s0, s23, $0xb8;
	[tilespmem:$0x10400] =	vst v63  }
0x24e: {  	s31 =	simm.s32 $0x3C00;
	s1 =	simm.s32 $0x2780  }
0x24f: {  	[tilespmem:s31], [sflag:$0x1] =	stream.indirect.gather [hbm4b:s3+s23], $0x10, s1, s23, $0xb8;
	[tilespmem:$0x10400] =	vst v63  }
0x250: {  	s26 =	simm.s32 $0x2800;
	s1 =	simm.s32 $0x4400  }
0x251: {  	[tilespmem:s1], [sflag:$0x1] =	stream.indirect.gather [hbm4b:s3+s23], $0x10, s26, s23, $0xb8;
	[tilespmem:$0x10400] =	vst v63  }
0x252: {  	s29 =	simm.s32 $0x4C00;
	s31 =	simm.s32 $0x2880  }
0x253: {  	[tilespmem:s29], [sflag:$0x1] =	stream.indirect.gather [hbm4b:s3+s23], $0x10, s31, s23, $0xb8;
	[tilespmem:$0x10400] =	vst v63  }
0x254: {  	s1 =	simm.s32 $0x5400;
	s26 =	simm.s32 $0x2900  }
0x255: {  	[tilespmem:s1], [sflag:$0x1] =	stream.indirect.gather [hbm4b:s3+s23], $0x10, s26, s23, $0xb8;
	[tilespmem:$0x10400] =	vst v63  }
0x256: {  	s29 =	simm.s32 $0x5C00;
	s31 =	simm.s32 $0x2980  }
0x257: {  	[tilespmem:s29], [sflag:$0x1] =	stream.indirect.gather [hbm4b:s3+s23], $0x10, s31, s23, $0xb8;
	[tilespmem:$0x10400] =	vst v63  }
0x258: {  	s1 =	simm.s32 $0x6400;
	s26 =	simm.s32 $0x2A00  }
0x259: {  	[tilespmem:s1], [sflag:$0x1] =	stream.indirect.gather [hbm4b:s3+s23], $0x10, s26, s23, $0xb8;
	[tilespmem:$0x10400] =	vst v63  }
0x25a: {  	s29 =	simm.s32 $0x6C00;
	s31 =	simm.s32 $0x2A80  }
0x25b: {  	[tilespmem:s29], [sflag:$0x1] =	stream.indirect.gather [hbm4b:s3+s23], $0x10, s31, s23, $0xb8;
	[tilespmem:$0x10400] =	vst v63  }
0x25c: {  	s26 =	simm.s32 $0x7400;
	s29 =	simm.s32 $0x2B00  }
0x25d: {  	[tilespmem:s26], [sflag:$0x1] =	stream.indirect.gather [hbm4b:s3+s23], $0x10, s29, s23, $0xb8;
	[tilespmem:$0x10400] =	vst v63  }
0x25e: {  	s31 =	simm.s32 $0x2B80  }
0x25f: {  	[tilespmem:s4], [sflag:$0x1] =	stream.indirect.gather [hbm4b:s3+s23], $0x10, s31, s23, $0xb8;
	[tilespmem:$0x10400] =	vst v63  }
0x260: {  	s1 =	simm.s32 $0x2C00  }
0x261: {  	[tilespmem:s5], [sflag:$0x1] =	stream.indirect.gather [hbm4b:s3+s23], $0x10, s1, s23, $0xb8;
	[tilespmem:$0x10400] =	vst v63  }
0x262: {  	s26 =	simm.s32 $0x2C80  }
0x263: {  	[tilespmem:s6], [sflag:$0x1] =	stream.indirect.gather [hbm4b:s3+s23], $0x10, s26, s23, $0xb8;
	[tilespmem:$0x10400] =	vst v63  }
0x264: {  	s29 =	simm.s32 $0x2D00  }
0x265: {  	[tilespmem:s7], [sflag:$0x1] =	stream.indirect.gather [hbm4b:s3+s23], $0x10, s29, s23, $0xb8;
	[tilespmem:$0x10400] =	vst v63  }
0x266: {  	_ =	swait.ge [sflag:s2], $0x800  }
0x267: {  	[sflag:s2] =	ssyncset.done $0x0  }
0x268: {  	[sflag:s2] =	ssyncadd.s32 $0xFFFFF800  }
0x269: {  	_ =	swait.ge [sflag:s2], $0x800  }
0x26a: {  	[sflag:s2] =	ssyncset.done $0x0  }
0x26b: {  	[sflag:s2] =	ssyncadd.s32 $0xFFFFF800  }
0x26c: {  	_ =	swait.ge [sflag:s2], $0x800  }
0x26d: {  	[sflag:s2] =	ssyncset.done $0x0  }
0x26e: {  	[sflag:s2] =	ssyncadd.s32 $0xFFFFF800  }
0x26f: {  	_ =	swait.ge [sflag:s2], $0x800  }
0x270: {  	[sflag:s2] =	ssyncset.done $0x0  }
0x271: {  	[sflag:s2] =	ssyncadd.s32 $0xFFFFF800  }
0x272: {  	_ =	swait.ge [sflag:s2], $0x800  }
0x273: {  	[sflag:s2] =	ssyncset.done $0x0  }
0x274: {  	[sflag:s2] =	ssyncadd.s32 $0xFFFFF800  }
0x275: {  	_ =	swait.ge [sflag:s2], $0x800  }
0x276: {  	[sflag:s2] =	ssyncset.done $0x0  }
0x277: {  	[sflag:s2] =	ssyncadd.s32 $0xFFFFF800  }
0x278: {  	_ =	swait.ge [sflag:s2], $0x800  }
0x279: {  	[sflag:s2] =	ssyncset.done $0x0  }
0x27a: {  	[sflag:s2] =	ssyncadd.s32 $0xFFFFF800  }
0x27b: {  	_ =	swait.ge [sflag:s2], $0x800  }
0x27c: {  	[sflag:s2] =	ssyncset.done $0x0  }
0x27d: {  	[sflag:s2] =	ssyncadd.s32 $0xFFFFF800  }
0x27e: {  	_ =	swait.ge [sflag:s2], $0x800  }
0x27f: {  	[sflag:s2] =	ssyncset.done $0x0  }
0x280: {  	[sflag:s2] =	ssyncadd.s32 $0xFFFFF800  }
0x281: {  	_ =	swait.ge [sflag:s2], $0x800  }
0x282: {  	[sflag:s2] =	ssyncset.done $0x0  }
0x283: {  	[sflag:s2] =	ssyncadd.s32 $0xFFFFF800  }
0x284: {  	_ =	swait.ge [sflag:s2], $0x800  }
0x285: {  	[sflag:s2] =	ssyncset.done $0x0  }
0x286: {  	[sflag:s2] =	ssyncadd.s32 $0xFFFFF800  }
0x287: {  	_ =	swait.ge [sflag:s2], $0x800  }
0x288: {  	[sflag:s2] =	ssyncset.done $0x0  }
0x289: {  	[sflag:s2] =	ssyncadd.s32 $0xFFFFF800  }
0x28a: {  	_ =	swait.ge [sflag:s2], $0x800  }
0x28b: {  	[sflag:s2] =	ssyncset.done $0x0  }
0x28c: {  	s28 =	simm.s32 $0x0;
	s31 =	rddreg [dreg:$0x8];
	[sflag:s2] =	ssyncadd.s32 $0xFFFFF800  }
0x28d: {  	[hbm4b:s31+s28] =	stream.linear.scatter [tilespmem:s8], [sflag:$0x3], $0x6800, $0x38;
	[tilespmem:$0x10400] =	vst v63  }
0x28e: {  	_ =	swait.ge [sflag:s22], $0x6800  }
0x28f: {  	[sflag:s22] =	ssyncset.done $0x0  }
0x290: {  	s30 =	simm.s32 $0x2D80;
	s1 =	rddreg [dreg:$0x13];
	[sflag:s22] =	ssyncadd.s32 $0xFFFF9800  }
.LBB2_30:
0x291: {  	v2 =	vor.u32 s1, v0  }
0x292: {  	v1 =	vmov s30;
	v3 =	vmulhi.u32 $0x4EC4EC4F, v2;
	_ =	sdelay $0x1  }
0x293: {  	v3 =	vshrl.u32 v3, $0x3  }
0x294: {  	v3 =	vmul.u32 $0x1A, v3  }
0x295: {  	s26 =	simm.s32 $0x0  }
0x296: {  	v2 =	vsub.s32 v2, v3;
	v3 =	vld.idx.msk [tilespmem:v1+s26+$0x0 ss:$0x1], $0xffff;
	_ =	sdelay $0x2  }
0x297: {  	s29 =	sadd.s32 $0x10, s1;
	v4 =	vmul.u32 $0x186A0, v2  }
0x298: {  	s31 =	simm.s32 $0x40;
	s0 =	simm.s32 $0x80;
	v2 =	vor.u32 s29, v0  }
.LBB2_31:
0x299: {  	p0 =	sne.s32 s0, $0x1C0;
	v5 =	vmulhi.u32 $0x4EC4EC4F, v2;
	v3 =	vadd.s32 v4, v3  }
0x29a: {  	[tilespmem:v1+s26+$0x0 ss:$0x1] =	vst.idx.msk $0xffff, v3;
	s26 =	sshra.s32 s31, $0x2;
	s31 =	smov.u32 s0  }
0x29b: {  	v4 =	vshrl.u32 v5, $0x3;
	v3 =	vld.idx.msk [tilespmem:v1+s26+$0x0 ss:$0x1], $0xffff  }
.Ltmp14:
0x29c: {  	v4 =	vmul.u32 $0x1A, v4;
	(pc) =	sbr.rel @p0 .LBB2_31-.Ltmp14, $4  }
0x29d: {  	_ = 	snop  }
0x29e: {  	v2 =	vsub.s32 v2, v4  }
0x29f: {  	s29 =	sadd.s32 $0x10, s29;
	v4 =	vmul.u32 $0x186A0, v2  }
0x2a0: {  	s0 =	sadd.s32 $0x40, s0;
	v2 =	vor.u32 s29, v0  }
0x2a1: {  	_ =	sdelay $0x1  }
0x2a2: {  	v5 =	vmulhi.u32 $0x4EC4EC4F, v2  }
0x2a3: {  	v3 =	vadd.s32 v4, v3  }
0x2a4: {  	s0 =	sshra.s32 s31, $0x2;
	[tilespmem:v1+s26+$0x0 ss:$0x1] =	vst.idx.msk $0xffff, v3;
	v3 =	vshrl.u32 v5, $0x3  }
0x2a5: {  	s28 =	sadd.s32 $0x1, s28;
	v63 =	vld.idx.msk [tilespmem:v1+s0+$0x0 ss:$0x1], $0xffff;
	v3 =	vmul.u32 $0x1A, v3  }
0x2a6: {  	p0 =	sne.s32 s28, $0xD  }
.Ltmp15:
0x2a7: {  	v2 =	vsub.s32 v2, v3;
	(pc) =	sbr.rel @p0 .LBB2_30-.Ltmp15, $3  }
0x2a8: {  	v2 =	vmul.u32 $0x186A0, v2;
	_ =	sdelay $0x1  }
0x2a9: {  	v2 =	vadd.s32 v2, v63  }
0x2aa: {  	s1 =	sadd.s32 $0x80, s1;
	s30 =	sadd.s32 $0x80, s30;
	[tilespmem:v1+s0+$0x0 ss:$0x1] =	vst.idx.msk $0xffff, v2  }
0x2ab: {  	s0 =	simm.s32 $0x2D80  }
0x2ac: {  	[tilespmem:s8], [sflag:$0x2] =	stream.indirect.gather [hbm4b:s3+s23], $0x10, s0, s23, $0xb8;
	[tilespmem:$0x10400] =	vst v63  }
0x2ad: {  	s29 =	simm.s32 $0x2E00  }
0x2ae: {  	[tilespmem:s9], [sflag:$0x2] =	stream.indirect.gather [hbm4b:s3+s23], $0x10, s29, s23, $0xb8;
	[tilespmem:$0x10400] =	vst v63  }
0x2af: {  	s30 =	simm.s32 $0x2E80  }
0x2b0: {  	[tilespmem:s10], [sflag:$0x2] =	stream.indirect.gather [hbm4b:s3+s23], $0x10, s30, s23, $0xb8;
	[tilespmem:$0x10400] =	vst v63  }
0x2b1: {  	s31 =	simm.s32 $0x2F00  }
0x2b2: {  	[tilespmem:s11], [sflag:$0x2] =	stream.indirect.gather [hbm4b:s3+s23], $0x10, s31, s23, $0xb8;
	[tilespmem:$0x10400] =	vst v63  }
0x2b3: {  	s1 =	simm.s32 $0x2F80  }
0x2b4: {  	[tilespmem:s12], [sflag:$0x2] =	stream.indirect.gather [hbm4b:s3+s23], $0x10, s1, s23, $0xb8;
	[tilespmem:$0x10400] =	vst v63  }
0x2b5: {  	s26 =	simm.s32 $0x3000  }
0x2b6: {  	[tilespmem:s13], [sflag:$0x2] =	stream.indirect.gather [hbm4b:s3+s23], $0x10, s26, s23, $0xb8;
	[tilespmem:$0x10400] =	vst v63  }
0x2b7: {  	s28 =	simm.s32 $0x3080  }
0x2b8: {  	[tilespmem:s14], [sflag:$0x2] =	stream.indirect.gather [hbm4b:s3+s23], $0x10, s28, s23, $0xb8;
	[tilespmem:$0x10400] =	vst v63  }
0x2b9: {  	s29 =	simm.s32 $0x3100  }
0x2ba: {  	[tilespmem:s15], [sflag:$0x2] =	stream.indirect.gather [hbm4b:s3+s23], $0x10, s29, s23, $0xb8;
	[tilespmem:$0x10400] =	vst v63  }
0x2bb: {  	s30 =	simm.s32 $0x3180  }
0x2bc: {  	[tilespmem:s16], [sflag:$0x2] =	stream.indirect.gather [hbm4b:s3+s23], $0x10, s30, s23, $0xb8;
	[tilespmem:$0x10400] =	vst v63  }
0x2bd: {  	s31 =	simm.s32 $0x3200  }
0x2be: {  	[tilespmem:s17], [sflag:$0x2] =	stream.indirect.gather [hbm4b:s3+s23], $0x10, s31, s23, $0xb8;
	[tilespmem:$0x10400] =	vst v63  }
0x2bf: {  	s1 =	simm.s32 $0x3280  }
0x2c0: {  	[tilespmem:s18], [sflag:$0x2] =	stream.indirect.gather [hbm4b:s3+s23], $0x10, s1, s23, $0xb8;
	[tilespmem:$0x10400] =	vst v63  }
0x2c1: {  	s26 =	simm.s32 $0x3300  }
0x2c2: {  	[tilespmem:s19], [sflag:$0x2] =	stream.indirect.gather [hbm4b:s3+s23], $0x10, s26, s23, $0xb8;
	[tilespmem:$0x10400] =	vst v63  }
0x2c3: {  	s28 =	simm.s32 $0x3380  }
0x2c4: {  	[tilespmem:s20], [sflag:$0x2] =	stream.indirect.gather [hbm4b:s3+s23], $0x10, s28, s23, $0xb8;
	[tilespmem:$0x10400] =	vst v63  }
0x2c5: {  	_ =	swait.ge [sflag:s21], $0x800  }
0x2c6: {  	[sflag:s21] =	ssyncset.done $0x0  }
0x2c7: {  	[sflag:s21] =	ssyncadd.s32 $0xFFFFF800  }
0x2c8: {  	_ =	swait.ge [sflag:s21], $0x800  }
0x2c9: {  	[sflag:s21] =	ssyncset.done $0x0  }
0x2ca: {  	[sflag:s21] =	ssyncadd.s32 $0xFFFFF800  }
0x2cb: {  	_ =	swait.ge [sflag:s21], $0x800  }
0x2cc: {  	[sflag:s21] =	ssyncset.done $0x0  }
0x2cd: {  	[sflag:s21] =	ssyncadd.s32 $0xFFFFF800  }
0x2ce: {  	_ =	swait.ge [sflag:s21], $0x800  }
0x2cf: {  	[sflag:s21] =	ssyncset.done $0x0  }
0x2d0: {  	[sflag:s21] =	ssyncadd.s32 $0xFFFFF800  }
0x2d1: {  	_ =	swait.ge [sflag:s21], $0x800  }
0x2d2: {  	[sflag:s21] =	ssyncset.done $0x0  }
0x2d3: {  	[sflag:s21] =	ssyncadd.s32 $0xFFFFF800  }
0x2d4: {  	_ =	swait.ge [sflag:s21], $0x800  }
0x2d5: {  	[sflag:s21] =	ssyncset.done $0x0  }
0x2d6: {  	[sflag:s21] =	ssyncadd.s32 $0xFFFFF800  }
0x2d7: {  	_ =	swait.ge [sflag:s21], $0x800  }
0x2d8: {  	[sflag:s21] =	ssyncset.done $0x0  }
0x2d9: {  	[sflag:s21] =	ssyncadd.s32 $0xFFFFF800  }
0x2da: {  	_ =	swait.ge [sflag:s21], $0x800  }
0x2db: {  	[sflag:s21] =	ssyncset.done $0x0  }
0x2dc: {  	[sflag:s21] =	ssyncadd.s32 $0xFFFFF800  }
0x2dd: {  	_ =	swait.ge [sflag:s21], $0x800  }
0x2de: {  	[sflag:s21] =	ssyncset.done $0x0  }
0x2df: {  	[sflag:s21] =	ssyncadd.s32 $0xFFFFF800  }
0x2e0: {  	_ =	swait.ge [sflag:s21], $0x800  }
0x2e1: {  	[sflag:s21] =	ssyncset.done $0x0  }
0x2e2: {  	[sflag:s21] =	ssyncadd.s32 $0xFFFFF800  }
0x2e3: {  	_ =	swait.ge [sflag:s21], $0x800  }
0x2e4: {  	[sflag:s21] =	ssyncset.done $0x0  }
0x2e5: {  	[sflag:s21] =	ssyncadd.s32 $0xFFFFF800  }
0x2e6: {  	_ =	swait.ge [sflag:s21], $0x800  }
0x2e7: {  	[sflag:s21] =	ssyncset.done $0x0  }
0x2e8: {  	[sflag:s21] =	ssyncadd.s32 $0xFFFFF800  }
0x2e9: {  	_ =	swait.ge [sflag:s21], $0x800  }
0x2ea: {  	[sflag:s21] =	ssyncset.done $0x0  }
0x2eb: {  	s26 =	simm.s32 $0x0;
	s29 =	rddreg [dreg:$0x9];
	[sflag:s21] =	ssyncadd.s32 $0xFFFFF800  }
0x2ec: {  	[hbm4b:s29+s26] =	stream.linear.scatter [tilespmem:s24], [sflag:$0x3], $0x6800, $0x38;
	[tilespmem:$0x10400] =	vst v63  }
0x2ed: {  	_ =	swait.ge [sflag:s22], $0x6800  }
0x2ee: {  	[sflag:s22] =	ssyncset.done $0x0  }
0x2ef: {  	[sflag:s22] =	ssyncadd.s32 $0xFFFF9800  }
0x2f0: {  	_ =	swait.ge [sflag:s2], $0x800  }
0x2f1: {  	[sflag:s2] =	ssyncset.done $0x0  }
0x2f2: {  	[sflag:s2] =	ssyncadd.s32 $0xFFFFF800  }
0x2f3: {  	_ =	swait.ge [sflag:s2], $0x800  }
0x2f4: {  	[sflag:s2] =	ssyncset.done $0x0  }
0x2f5: {  	[sflag:s2] =	ssyncadd.s32 $0xFFFFF800  }
0x2f6: {  	_ =	swait.ge [sflag:s2], $0x800  }
0x2f7: {  	[sflag:s2] =	ssyncset.done $0x0  }
0x2f8: {  	[sflag:s2] =	ssyncadd.s32 $0xFFFFF800  }
0x2f9: {  	_ =	swait.ge [sflag:s2], $0x800  }
0x2fa: {  	[sflag:s2] =	ssyncset.done $0x0  }
0x2fb: {  	[sflag:s2] =	ssyncadd.s32 $0xFFFFF800  }
0x2fc: {  	_ =	swait.ge [sflag:s2], $0x800  }
0x2fd: {  	[sflag:s2] =	ssyncset.done $0x0  }
0x2fe: {  	[sflag:s2] =	ssyncadd.s32 $0xFFFFF800  }
0x2ff: {  	_ =	swait.ge [sflag:s2], $0x800  }
0x300: {  	[sflag:s2] =	ssyncset.done $0x0  }
0x301: {  	[sflag:s2] =	ssyncadd.s32 $0xFFFFF800  }
0x302: {  	_ =	swait.ge [sflag:s2], $0x800  }
0x303: {  	[sflag:s2] =	ssyncset.done $0x0  }
0x304: {  	[sflag:s2] =	ssyncadd.s32 $0xFFFFF800  }
0x305: {  	_ =	swait.ge [sflag:s2], $0x800  }
0x306: {  	[sflag:s2] =	ssyncset.done $0x0  }
0x307: {  	[sflag:s2] =	ssyncadd.s32 $0xFFFFF800  }
0x308: {  	_ =	swait.ge [sflag:s2], $0x800  }
0x309: {  	[sflag:s2] =	ssyncset.done $0x0  }
0x30a: {  	[sflag:s2] =	ssyncadd.s32 $0xFFFFF800  }
0x30b: {  	_ =	swait.ge [sflag:s2], $0x800  }
0x30c: {  	[sflag:s2] =	ssyncset.done $0x0  }
0x30d: {  	[sflag:s2] =	ssyncadd.s32 $0xFFFFF800  }
0x30e: {  	_ =	swait.ge [sflag:s2], $0x800  }
0x30f: {  	[sflag:s2] =	ssyncset.done $0x0  }
0x310: {  	[sflag:s2] =	ssyncadd.s32 $0xFFFFF800  }
0x311: {  	_ =	swait.ge [sflag:s2], $0x800  }
0x312: {  	[sflag:s2] =	ssyncset.done $0x0  }
0x313: {  	[sflag:s2] =	ssyncadd.s32 $0xFFFFF800  }
0x314: {  	_ =	swait.ge [sflag:s2], $0x800  }
0x315: {  	[sflag:s2] =	ssyncset.done $0x0  }
0x316: {  	s30 =	rddreg [dreg:$0xa];
	[sflag:s2] =	ssyncadd.s32 $0xFFFFF800  }
0x317: {  	[hbm4b:s30+s26] =	stream.linear.scatter [tilespmem:s8], [sflag:$0x3], $0x6800, $0x38;
	[tilespmem:$0x10400] =	vst v63  }
0x318: {  	_ =	swait.ge [sflag:s22], $0x6800  }
0x319: {  	s25 =	sadd.s32 $0x1, s25;
	s31 =	rddreg [dreg:$0xb]  }
0x31a: {  	p0 =	sne.s32 s25, s31  }
.Ltmp16:
0x31b: {  	_ = 	snop;
	(pc) =	sbr.rel @p0 .LBB2_1-.Ltmp16, $3  }
0x31c: {  	_ =	sdelay $0x1  }
0x31d: {  	[sflag:s22] =	ssyncset.done $0x0  }
0x31e: {  	[sflag:s22] =	ssyncadd.s32 $0xFFFF9800  }
0x31f: {  	_ =	sfence.sel $0x180000  }
0x320: {  	[bflag:$0x0] =	sbarrier.arrive $0xFFFF  }
0x321: {  	_ =	strace $0x90000047  }
0x322: {  	s0 =	stileid.u32;
	[bflag:$0x2] =	sbarrier.arrive $0xFFFF  }
0x323: {  	p0 =	sne.s32 s0, $0x0;
	s0 =	rddreg [dreg:$0x1]  }
0x324: {  	s0 =	sadd.s32 @!p0 $0x100000, s0  }
0x325: {  	[sflag:s0] =	ssyncadd.tile.s32 @!p0 $0x1;
	_ =	shalt  }
.Lfunc_end2:
_tile_overlayer_lowered:
.L_overlay_start_2:
0x326: {  	(tag) =	ssettag $0x2  }
0x327: {  	s0 =	rddreg [dreg:$0x0];
	s2 =	stileid.u32  }
0x328: {  	s1 =	rddreg [dreg:$0x1];
	p0 =	sne.s32 s2, $0x0  }
0x329: {  	s3 =	rddreg [dreg:$0x2];
	[bflag:$0x3] =	sbarrier.arrive $0xFFFF;
	s2 =	simm.s32 @!p0 $0x1C03  }
0x32a: {  	[timem:s3], [sflag:s2] =	dma.local @!p0 [hbm:s0], s1  }
0x32b: {  	s0 =	simm.s32 @!p0 $0x3  }
0x32c: {  	_ =	swait.ge @!p0 [sflag:s0], s1  }
0x32d: {  	s1 =	ssub.s32 @!p0 $0x0, s1;
	[sflag:s0] =	ssyncset.done @!p0 $0x0  }
0x32e: {  	[sflag:s0] =	ssyncadd.s32 @!p0 s1  }
0x32f: {  	[bflag:$0x3] =	sbarrier.arrive $0xFFFF  }
0x330: {  	_ =	shalt  }

</sc_bundles>
